<compile_context>
chip_gen: v7x
topology: tpu7x:2x2x1
jax: 0.10.2.dev20260603
libtpu: 0.0.44.dev20260713+nightly
codegen_flags: <defaults>
</compile_context>

<pallas_src>
import functools

import jax
import jax.numpy as jnp
from jax import lax
from jax.experimental import pallas as pl
from jax.experimental.pallas import tpu as pltpu
from jax.experimental.pallas import tpu_sc as plsc

N = 10000
E = 320000
D = 128

NC = 2
NS = 16
NW = NC * NS

CH = 128
CPT = 80
EPT = CPT * CH
E_PAD = NW * EPT
N_ACC = 10240
SPAN = N_ACC // NS
DW = 16

_MESH = plsc.VectorSubcoreMesh(
    core_axis_name="c", subcore_axis_name="s", num_cores=NC, num_subcores=NS
)


def _deg_body(dst2d_hbm, degout_hbm, idxbuf, ones_v, zseg, acc):
    c = lax.axis_index("c")
    s = lax.axis_index("s")
    wid = c * NS + s

    def z(k, carry):
        zseg[pl.ds(k * 16, 16)] = jnp.zeros((16,), jnp.float32)
        return carry

    lax.fori_loop(0, SPAN // 16, z, 0)
    pltpu.sync_copy(zseg, acc.at[pl.ds(s * SPAN, SPAN)])

    def o(k, carry):
        ones_v[pl.ds(k * 16, 16)] = jnp.ones((16,), jnp.float32)
        return carry

    lax.fori_loop(0, CH // 16, o, 0)
    pltpu.sync_copy(dst2d_hbm.at[pl.ds(wid * CPT, CPT)], idxbuf)
    plsc.subcore_barrier()

    def body(j, carry):
        pltpu.sync_copy(ones_v, acc.at[idxbuf.at[j]], add=True)
        return carry

    lax.fori_loop(0, CPT, body, 0)
    plsc.subcore_barrier()
    pltpu.sync_copy(
        acc.at[pl.ds(s * SPAN, SPAN)], degout_hbm.at[c, pl.ds(s * SPAN, SPAN)]
    )


def _make_deg_kernel(interpret=False):
    return functools.partial(
        pl.kernel,
        out_type=jax.ShapeDtypeStruct((NC, N_ACC), jnp.float32),
        mesh=_MESH,
        scratch_types=[
            pltpu.VMEM((CPT, CH), jnp.int32),
            pltpu.VMEM((CH,), jnp.float32),
            pltpu.VMEM((SPAN,), jnp.float32),
            pltpu.VMEM_SHARED((N_ACC,), jnp.float32),
        ],
        interpret=interpret,
    )(_deg_body)


_deg_kernel = _make_deg_kernel()


NBUF = 2
PHCH = 32
PH_SLOW, PH_FAST = 1, 4
HNITER = PHCH // NBUF
SLOW_CHUNKS = NS * PH_SLOW * PHCH


def _agg_body(y_hbm, src2d_hbm, dst2d_hbm, out_hbm,
              srcbuf, dstbuf, rows0, rows1,
              acc, gs0, gs1, ss0, ss1):
    rows = (rows0, rows1)
    gsem = (gs0, gs1)
    ssem = (ss0, ss1)
    c = lax.axis_index("c")
    s = lax.axis_index("s")
    wid = c * NS + s

    @pl.when(c == 0)
    def _():
        pltpu.sync_copy(y_hbm.at[pl.ds(s * SPAN, SPAN)],
                        acc.at[pl.ds(s * SPAN, SPAN)])

    @pl.when(c != 0)
    def _():
        @pl.loop(0, CH)
        def _(r):
            for k in range(D // 16):
                rows0[r, pl.ds(k * 16, 16)] = jnp.zeros((16,), jnp.float32)

        for q in range(SPAN // CH):
            pltpu.sync_copy(rows0, acc.at[pl.ds(s * SPAN + q * CH, CH)])

    plsc.subcore_barrier()

    nph = jnp.where(c == 0, PH_SLOW, PH_FAST)
    tile_base = jnp.where(c == 0, s * (PH_SLOW * PHCH),
                          SLOW_CHUNKS + s * (PH_FAST * PHCH))
    for p in range(PH_FAST):
      @pl.when(p < nph)
      def _():
        base = tile_base + p * PHCH
        pltpu.sync_copy(src2d_hbm.at[pl.ds(base, PHCH)], srcbuf)
        pltpu.sync_copy(dst2d_hbm.at[pl.ds(base, PHCH)], dstbuf)
        for b in range(NBUF):
            pltpu.async_copy(y_hbm.at[srcbuf.at[b]], rows[b], gsem[b])

        @pl.loop(0, HNITER)
        def _(jj):
            for b in range(NBUF):
                j = jj * NBUF + b
                pltpu.make_async_copy(y_hbm.at[srcbuf.at[j]], rows[b],
                                      gsem[b]).wait()
                pltpu.async_copy(rows[b], acc.at[dstbuf.at[j]], ssem[b],
                                 add=True)

                @pl.when(jj < HNITER - 1)
                def _():
                    pltpu.make_async_copy(rows[b], acc.at[dstbuf.at[j]],
                                          ssem[b]).wait()
                    pltpu.async_copy(y_hbm.at[srcbuf.at[j + NBUF]], rows[b],
                                     gsem[b])

        for b in range(NBUF):
            pltpu.make_async_copy(rows[b], acc.at[dstbuf.at[PHCH - NBUF + b]],
                                  ssem[b]).wait()

    plsc.subcore_barrier()
    pltpu.sync_copy(
        acc.at[pl.ds(s * SPAN, SPAN)], out_hbm.at[c, pl.ds(s * SPAN, SPAN)]
    )


def _make_agg_kernel(interpret=False):
    return functools.partial(
        pl.kernel,
        out_type=jax.ShapeDtypeStruct((NC, N_ACC, D), jnp.float32),
        mesh=_MESH,
        scratch_types=[
            pltpu.VMEM((PHCH, CH), jnp.int32),
            pltpu.VMEM((PHCH, CH), jnp.int32),
            pltpu.VMEM((CH, D), jnp.float32),
            pltpu.VMEM((CH, D), jnp.float32),
            pltpu.VMEM_SHARED((N_ACC, D), jnp.float32),
            pltpu.SemaphoreType.DMA,
            pltpu.SemaphoreType.DMA,
            pltpu.SemaphoreType.DMA,
            pltpu.SemaphoreType.DMA,
        ],
        interpret=interpret,
    )(_agg_body)


_agg_kernel = _make_agg_kernel()


def _mm_body(x_ref, w_ref, d0_ref, d1_ref, y_ref):
    deg = d0_ref[...] + d1_ref[...] + 1.0
    dis = lax.rsqrt(deg)
    y = dis * jnp.dot(
        x_ref[...], w_ref[...], preferred_element_type=jnp.float32
    )
    y_ref[pl.ds(0, N_ACC), :] = y
    y_ref[pl.ds(N_ACC, N_ACC), :] = y


def _fin_body(p0_ref, p1_ref, d0_ref, d1_ref, b_ref, o_ref):
    dis = lax.rsqrt(d0_ref[...] + d1_ref[...] + 1.0)
    o_ref[...] = dis * (p0_ref[...] + p1_ref[...]) + b_ref[...]


def kernel(x, edge_index, W, b):
    ei = edge_index.astype(jnp.int32)
    pad = E_PAD - E
    src_p = jnp.concatenate([ei[0], jnp.zeros((pad,), jnp.int32)])
    dst_p = jnp.concatenate([ei[1], jnp.full((pad,), N, jnp.int32)])
    src2d = src_p.reshape(NW * CPT, CH)
    dst2d = dst_p.reshape(NW * CPT, CH)
    row_core = (jnp.arange(NW * CPT, dtype=jnp.int32) >= SLOW_CHUNKS)
    src2d = src2d + (row_core[:, None].astype(jnp.int32) * N_ACC)

    x_p = jnp.pad(x, ((0, N_ACC - N), (0, 0)))

    degout = _deg_kernel(dst2d)
    d0 = degout[0, :, None]
    d1 = degout[1, :, None]

    y = pl.pallas_call(
        _mm_body,
        out_shape=jax.ShapeDtypeStruct((2 * N_ACC, D), jnp.float32),
    )(x_p, W, d0, d1)

    parts = _agg_kernel(y, src2d, dst2d)

    out = pl.pallas_call(
        _fin_body,
        out_shape=jax.ShapeDtypeStruct((N, D), jnp.float32),
    )(parts[0, :N], parts[1, :N], d0[:N], d1[:N], b.reshape(1, D))
    return out

# --- scband reference (transcript-rebuilt; emitter-appended) ---
"""Pipeline reference for scband-gcnlayer-25890062861001 (READ-ONLY COPY).

The authoritative reference and input builder live on the scoring server;
editing this copy changes nothing except your own understanding.
"""

import jax, jax.numpy as jnp
import numpy as np

N_NODES = 10000
N_EDGES = 320000
D_IN = 128
D_OUT = 128


def setup_inputs(seed: int = 0) -> dict:
    key = jax.random.key(seed)
    k_x, k_ei, k_w, k_b = jax.random.split(key, 4)
    x = jax.random.normal(k_x, (N_NODES, D_IN), dtype=jnp.float32)
    edge_index = jax.random.randint(k_ei, (2, N_EDGES), 0, N_NODES, dtype=jnp.int64)
    # GCNConv learned parameters (PyG uses glorot init for weight, zeros for bias)
    limit = float(np.sqrt(6.0 / (D_IN + D_OUT)))
    W = jax.random.uniform(k_w, (D_IN, D_OUT), dtype=jnp.float32, minval=-limit, maxval=limit)
    b = jnp.zeros((D_OUT,), dtype=jnp.float32)
    return {"x": x, "edge_index": edge_index, "W": W, "b": b}


def reference(x, edge_index, W, b):
    # Faithful translation of torch_geometric GCNConv with edge_weight=None:
    #   1) add self-loops, 2) symmetric normalization D^{-1/2} A_hat D^{-1/2},
    #   3) linear transform, 4) scatter-add aggregation to dst nodes, 5) bias.
    N = x.shape[0]
    loop = jnp.arange(N, dtype=edge_index.dtype)
    src = jnp.concatenate([edge_index[0], loop])
    dst = jnp.concatenate([edge_index[1], loop])
    ew = jnp.ones((src.shape[0],), dtype=x.dtype)
    deg = jax.ops.segment_sum(ew, dst, num_segments=N)
    deg_inv_sqrt = jnp.where(deg > 0, jax.lax.rsqrt(deg), 0.0)
    norm = deg_inv_sqrt[src] * ew * deg_inv_sqrt[dst]
    xw = x @ W
    msgs = xw[src] * norm[:, None]
    out = jnp.zeros((N, xw.shape[1]), dtype=x.dtype).at[dst].add(msgs)
    return out + b

if __name__ == "__main__":
    import jax
    _d = setup_inputs()
    print(jax.jit(kernel)(*tuple(_d.values())))

</pallas_src>

<mosaic_0001>
#map = affine_map<(d0, d1) -> (0, 0)>
module attributes {stable_mosaic.version = 14 : i64} {
  func.func @_deg_body(%arg0: i32, %arg1: i32, %arg2: memref<2560x128xi32, #tpu.memory_space<hbm>>, %arg3: memref<2x10240xf32, #tpu.memory_space<hbm>>, %arg4: memref<80x128xi32, #tpu.memory_space<vmem>>, %arg5: memref<128xf32, #tpu.memory_space<vmem>>, %arg6: memref<640xf32, #tpu.memory_space<vmem>>, %arg7: memref<10240xf32, #tpu.memory_space<vmem_shared>>) attributes {dimension_semantics = [#tpu.dimension_semantics<core_parallel>, #tpu.dimension_semantics<subcore_parallel>], iteration_bounds = array<i64: 2, 16>, scalar_prefetch = 0 : i64, scratch_operands = 4 : i64, tpu.core_type = #tpu.core_type<sc_vector_subcore>, window_params = [{transform_indices = #map}, {transform_indices = #map}]} {
    %mul3A = arith.constant 16 : i32
    %mul3A_0 = arith.muli %arg0, %mul3A : i32
    %add3A = arith.addi %mul3A_0, %arg1 : i32
    %scan3A = arith.constant 0 : i32
    %scan3A_1 = arith.constant 0 : i32
    %scan3A_2 = arith.constant 40 : i32
    %scan3A_3 = arith.addi %scan3A_1, %scan3A_2 : i32
    %scan3A_4 = arith.constant 1 : i32
    scf.for %scan3A_27 = %scan3A_1 to %scan3A_3 step %scan3A_4  : i32 {
      %broadcast_in_dim3A = arith.constant 0.000000e+00 : f32
      %broadcast_in_dim3A_28 = vector.broadcast %broadcast_in_dim3A : f32 to vector<16xf32>
      %mul3A_29 = arith.constant 16 : i32
      %mul3A_30 = arith.muli %scan3A_27, %mul3A_29 : i32
      %swap3A = arith.index_cast %mul3A_30 : i32 to index
      %swap3A_31 = tpu.vector_load %arg6[%swap3A] {strides = array<i32>} : memref<640xf32, #tpu.memory_space<vmem>>, vector<16xf32>,
      %swap3A_32 = vector.shape_cast %swap3A_31 : vector<16xf32> to vector<16xf32>
      %swap3A_33 = vector.shape_cast %broadcast_in_dim3A_28 : vector<16xf32> to vector<16xf32>
      tpu.vector_store %arg6[%swap3A], %swap3A_33 {strides = array<i32>} : memref<640xf32, #tpu.memory_space<vmem>>, vector<16xf32>,
    }
    %scan3A_5 = arith.constant 40 : i32
    %mul3A_6 = arith.constant 640 : i32
    %mul3A_7 = arith.muli %arg1, %mul3A_6 : i32
    "tpu.region"() ({
      %run_scoped3A = tpu.sem_alloc : memref<!tpu.dma_semaphore, #tpu.memory_space<semaphore_mem>>
      %dma_start3A = tpu.memref_slice %arg7[%mul3A_7] : memref<10240xf32, #tpu.memory_space<vmem_shared>> -> memref<640xf32, #tpu.memory_space<vmem_shared>>
      %dma_start3A_27 = tpu.memref_slice %arg7[%mul3A_7] : memref<10240xf32, #tpu.memory_space<vmem_shared>> -> memref<640xf32, #tpu.memory_space<vmem_shared>>
      tpu.enqueue_dma source(%arg6 : memref<640xf32, #tpu.memory_space<vmem>>) target(%dma_start3A_27 : memref<640xf32, #tpu.memory_space<vmem_shared>>) target_semaphore(%run_scoped3A : memref<!tpu.dma_semaphore, #tpu.memory_space<semaphore_mem>>)
      %dma_wait3A = tpu.memref_slice %arg7[%mul3A_7] : memref<10240xf32, #tpu.memory_space<vmem_shared>> -> memref<640xf32, #tpu.memory_space<vmem_shared>>
      %dma_wait3A_28 = tpu.memref_slice %arg7[%mul3A_7] : memref<10240xf32, #tpu.memory_space<vmem_shared>> -> memref<640xf32, #tpu.memory_space<vmem_shared>>
      tpu.wait_dma2 semaphore(%run_scoped3A : memref<!tpu.dma_semaphore, #tpu.memory_space<semaphore_mem>>) src(%arg6 : memref<640xf32, #tpu.memory_space<vmem>>) dst(%dma_wait3A_28 : memref<640xf32, #tpu.memory_space<vmem_shared>>)
      tpu.yield
    }) : () -> ()
    %scan3A_8 = arith.constant 0 : i32
    %scan3A_9 = arith.constant 0 : i32
    %scan3A_10 = arith.constant 8 : i32
    %scan3A_11 = arith.addi %scan3A_9, %scan3A_10 : i32
    %scan3A_12 = arith.constant 1 : i32
    scf.for %scan3A_27 = %scan3A_9 to %scan3A_11 step %scan3A_12  : i32 {
      %broadcast_in_dim3A = arith.constant 1.000000e+00 : f32
      %broadcast_in_dim3A_28 = vector.broadcast %broadcast_in_dim3A : f32 to vector<16xf32>
      %mul3A_29 = arith.constant 16 : i32
      %mul3A_30 = arith.muli %scan3A_27, %mul3A_29 : i32
      %swap3A = arith.index_cast %mul3A_30 : i32 to index
      %swap3A_31 = tpu.vector_load %arg5[%swap3A] {strides = array<i32>} : memref<128xf32, #tpu.memory_space<vmem>>, vector<16xf32>,
      %swap3A_32 = vector.shape_cast %swap3A_31 : vector<16xf32> to vector<16xf32>
      %swap3A_33 = vector.shape_cast %broadcast_in_dim3A_28 : vector<16xf32> to vector<16xf32>
      tpu.vector_store %arg5[%swap3A], %swap3A_33 {strides = array<i32>} : memref<128xf32, #tpu.memory_space<vmem>>, vector<16xf32>,
    }
    %scan3A_13 = arith.constant 8 : i32
    %mul3A_14 = arith.constant 80 : i32
    %mul3A_15 = arith.muli %add3A, %mul3A_14 : i32
    "tpu.region"() ({
      %run_scoped3A = tpu.sem_alloc : memref<!tpu.dma_semaphore, #tpu.memory_space<semaphore_mem>>
      %dma_start3A = arith.constant 0 : i32
      %dma_start3A_27 = tpu.memref_slice %arg2[%mul3A_15, %dma_start3A] : memref<2560x128xi32, #tpu.memory_space<hbm>> -> memref<80x128xi32, #tpu.memory_space<hbm>>
      %dma_start3A_28 = arith.constant 0 : i32
      %dma_start3A_29 = tpu.memref_slice %arg2[%mul3A_15, %dma_start3A_28] : memref<2560x128xi32, #tpu.memory_space<hbm>> -> memref<80x128xi32, #tpu.memory_space<hbm>>
      tpu.enqueue_dma source(%dma_start3A_29 : memref<80x128xi32, #tpu.memory_space<hbm>>) target(%arg4 : memref<80x128xi32, #tpu.memory_space<vmem>>) target_semaphore(%run_scoped3A : memref<!tpu.dma_semaphore, #tpu.memory_space<semaphore_mem>>)
      %dma_wait3A = arith.constant 0 : i32
      %dma_wait3A_30 = tpu.memref_slice %arg2[%mul3A_15, %dma_wait3A] : memref<2560x128xi32, #tpu.memory_space<hbm>> -> memref<80x128xi32, #tpu.memory_space<hbm>>
      %dma_wait3A_31 = arith.constant 0 : i32
      %dma_wait3A_32 = tpu.memref_slice %arg2[%mul3A_15, %dma_wait3A_31] : memref<2560x128xi32, #tpu.memory_space<hbm>> -> memref<80x128xi32, #tpu.memory_space<hbm>>
      tpu.wait_dma2 semaphore(%run_scoped3A : memref<!tpu.dma_semaphore, #tpu.memory_space<semaphore_mem>>) src(%dma_wait3A_32 : memref<80x128xi32, #tpu.memory_space<hbm>>) dst(%arg4 : memref<80x128xi32, #tpu.memory_space<vmem>>)
      tpu.yield
    }) : () -> ()
    %barrier3A = arith.constant 0 : index
    tpu.barrier barrier_id(%barrier3A)
    %scan3A_16 = arith.constant 0 : i32
    %scan3A_17 = arith.constant 0 : i32
    %scan3A_18 = arith.constant 80 : i32
    %scan3A_19 = arith.addi %scan3A_17, %scan3A_18 : i32
    %scan3A_20 = arith.constant 1 : i32
    scf.for %scan3A_27 = %scan3A_17 to %scan3A_19 step %scan3A_20  : i32 {
      "tpu.region"() ({
        %run_scoped3A = tpu.sem_alloc : memref<!tpu.dma_semaphore, #tpu.memory_space<semaphore_mem>>
        %dma_start3A = arith.constant 0 : i32
        %dma_start3A_28 = tpu.memref_slice %arg4[%scan3A_27, %dma_start3A] : memref<80x128xi32, #tpu.memory_space<vmem>> -> memref<1x128xi32, #tpu.memory_space<vmem>>
        %dma_start3A_29 = tpu.memref_squeeze %dma_start3A_28 : memref<1x128xi32, #tpu.memory_space<vmem>> -> memref<128xi32, #tpu.memory_space<vmem>>
        %dma_start3A_30 = arith.constant 0 : i32
        %dma_start3A_31 = tpu.memref_slice %arg7[%dma_start3A_30] : memref<10240xf32, #tpu.memory_space<vmem_shared>> -> memref<10240xf32, #tpu.memory_space<vmem_shared>>
        tpu.enqueue_indirect_dma source(%arg5 : memref<128xf32, #tpu.memory_space<vmem>>) target(%dma_start3A_31 : memref<10240xf32, #tpu.memory_space<vmem_shared>>) offsets(%dma_start3A_29 : memref<128xi32, #tpu.memory_space<vmem>>) semaphore(%run_scoped3A : memref<!tpu.dma_semaphore, #tpu.memory_space<semaphore_mem>>) {add = true}
        %dma_wait3A = arith.constant 0 : i32
        %dma_wait3A_32 = tpu.memref_slice %arg4[%scan3A_27, %dma_wait3A] : memref<80x128xi32, #tpu.memory_space<vmem>> -> memref<1x128xi32, #tpu.memory_space<vmem>>
        %dma_wait3A_33 = tpu.memref_squeeze %dma_wait3A_32 : memref<1x128xi32, #tpu.memory_space<vmem>> -> memref<128xi32, #tpu.memory_space<vmem>>
        %dma_wait3A_34 = arith.constant 0 : i32
        %dma_wait3A_35 = tpu.memref_slice %arg7[%dma_wait3A_34] : memref<10240xf32, #tpu.memory_space<vmem_shared>> -> memref<10240xf32, #tpu.memory_space<vmem_shared>>
        tpu.wait_indirect_dma semaphore(%run_scoped3A : memref<!tpu.dma_semaphore, #tpu.memory_space<semaphore_mem>>) src(%arg5 : memref<128xf32, #tpu.memory_space<vmem>>) dst(%dma_wait3A_35 : memref<10240xf32, #tpu.memory_space<vmem_shared>>)
        tpu.yield
      }) : () -> ()
    }
    %scan3A_21 = arith.constant 80 : i32
    %barrier3A_22 = arith.constant 0 : index
    tpu.barrier barrier_id(%barrier3A_22)
    %mul3A_23 = arith.constant 640 : i32
    %mul3A_24 = arith.muli %arg1, %mul3A_23 : i32
    %mul3A_25 = arith.constant 640 : i32
    %mul3A_26 = arith.muli %arg1, %mul3A_25 : i32
    "tpu.region"() ({
      %run_scoped3A = tpu.sem_alloc : memref<!tpu.dma_semaphore, #tpu.memory_space<semaphore_mem>>
      %dma_start3A = tpu.memref_slice %arg3[%arg0, %mul3A_26] : memref<2x10240xf32, #tpu.memory_space<hbm>> -> memref<1x640xf32, #tpu.memory_space<hbm>>
      %dma_start3A_27 = tpu.memref_squeeze %dma_start3A : memref<1x640xf32, #tpu.memory_space<hbm>> -> memref<640xf32, #tpu.memory_space<hbm>>
      %dma_start3A_28 = tpu.memref_slice %arg7[%mul3A_24] : memref<10240xf32, #tpu.memory_space<vmem_shared>> -> memref<640xf32, #tpu.memory_space<vmem_shared>>
      tpu.enqueue_dma source(%dma_start3A_28 : memref<640xf32, #tpu.memory_space<vmem_shared>>) target(%dma_start3A_27 : memref<640xf32, #tpu.memory_space<hbm>>) target_semaphore(%run_scoped3A : memref<!tpu.dma_semaphore, #tpu.memory_space<semaphore_mem>>)
      %dma_wait3A = tpu.memref_slice %arg3[%arg0, %mul3A_26] : memref<2x10240xf32, #tpu.memory_space<hbm>> -> memref<1x640xf32, #tpu.memory_space<hbm>>
      %dma_wait3A_29 = tpu.memref_squeeze %dma_wait3A : memref<1x640xf32, #tpu.memory_space<hbm>> -> memref<640xf32, #tpu.memory_space<hbm>>
      %dma_wait3A_30 = tpu.memref_slice %arg7[%mul3A_24] : memref<10240xf32, #tpu.memory_space<vmem_shared>> -> memref<640xf32, #tpu.memory_space<vmem_shared>>
      tpu.wait_dma2 semaphore(%run_scoped3A : memref<!tpu.dma_semaphore, #tpu.memory_space<semaphore_mem>>) src(%dma_wait3A_30 : memref<640xf32, #tpu.memory_space<vmem_shared>>) dst(%dma_wait3A_29 : memref<640xf32, #tpu.memory_space<hbm>>)
      tpu.yield
    }) : () -> ()
    return
  }
}

#map = affine_map<(d0, d1) -> (0, 0)>
#map1 = affine_map<(d0, d1) -> (0, 0, 0)>
module attributes {stable_mosaic.version = 14 : i64} {
  func.func @_agg_body(%arg0: i32, %arg1: i32, %arg2: memref<20480x128xf32, #tpu.memory_space<hbm>>, %arg3: memref<2560x128xi32, #tpu.memory_space<hbm>>, %arg4: memref<2560x128xi32, #tpu.memory_space<hbm>>, %arg5: memref<2x10240x128xf32, #tpu.memory_space<hbm>>, %arg6: memref<32x128xi32, #tpu.memory_space<vmem>>, %arg7: memref<32x128xi32, #tpu.memory_space<vmem>>, %arg8: memref<128x128xf32, #tpu.memory_space<vmem>>, %arg9: memref<128x128xf32, #tpu.memory_space<vmem>>, %arg10: memref<10240x128xf32, #tpu.memory_space<vmem_shared>>, %arg11: memref<!tpu.dma_semaphore, #tpu.memory_space<semaphore_mem>>, %arg12: memref<!tpu.dma_semaphore, #tpu.memory_space<semaphore_mem>>, %arg13: memref<!tpu.dma_semaphore, #tpu.memory_space<semaphore_mem>>, %arg14: memref<!tpu.dma_semaphore, #tpu.memory_space<semaphore_mem>>) attributes {dimension_semantics = [#tpu.dimension_semantics<core_parallel>, #tpu.dimension_semantics<subcore_parallel>], iteration_bounds = array<i64: 2, 16>, scalar_prefetch = 0 : i64, scratch_operands = 9 : i64, tpu.core_type = #tpu.core_type<sc_vector_subcore>, window_params = [{transform_indices = #map}, {transform_indices = #map}, {transform_indices = #map}, {transform_indices = #map1}]} {
    %mul3A = arith.constant 16 : i32
    %mul3A_0 = arith.muli %arg0, %mul3A : i32
    %add3A = arith.addi %mul3A_0, %arg1 : i32
    %eq3A = arith.constant 0 : i32
    %eq3A_1 = arith.cmpi eq, %arg0, %eq3A : i32
    %convert_element_type3A = arith.extui %eq3A_1 : i1 to i32
    %cond3A = arith.constant 0 : i32
    %cond3A_2 = arith.cmpi ne, %convert_element_type3A, %cond3A : i32
    scf.if %cond3A_2 {
      %mul3A_43 = arith.constant 640 : i32
      %mul3A_44 = arith.muli %arg1, %mul3A_43 : i32
      %mul3A_45 = arith.constant 640 : i32
      %mul3A_46 = arith.muli %arg1, %mul3A_45 : i32
      "tpu.region"() ({
        %run_scoped3A = tpu.sem_alloc : memref<!tpu.dma_semaphore, #tpu.memory_space<semaphore_mem>>
        %dma_start3A = arith.constant 0 : i32
        %dma_start3A_47 = tpu.memref_slice %arg10[%mul3A_46, %dma_start3A] : memref<10240x128xf32, #tpu.memory_space<vmem_shared>> -> memref<640x128xf32, #tpu.memory_space<vmem_shared>>
        %dma_start3A_48 = arith.constant 0 : i32
        %dma_start3A_49 = tpu.memref_slice %arg2[%mul3A_44, %dma_start3A_48] : memref<20480x128xf32, #tpu.memory_space<hbm>> -> memref<640x128xf32, #tpu.memory_space<hbm>>
        tpu.enqueue_dma source(%dma_start3A_49 : memref<640x128xf32, #tpu.memory_space<hbm>>) target(%dma_start3A_47 : memref<640x128xf32, #tpu.memory_space<vmem_shared>>) target_semaphore(%run_scoped3A : memref<!tpu.dma_semaphore, #tpu.memory_space<semaphore_mem>>)
        %dma_wait3A = arith.constant 0 : i32
        %dma_wait3A_50 = tpu.memref_slice %arg10[%mul3A_46, %dma_wait3A] : memref<10240x128xf32, #tpu.memory_space<vmem_shared>> -> memref<640x128xf32, #tpu.memory_space<vmem_shared>>
        %dma_wait3A_51 = arith.constant 0 : i32
        %dma_wait3A_52 = tpu.memref_slice %arg2[%mul3A_44, %dma_wait3A_51] : memref<20480x128xf32, #tpu.memory_space<hbm>> -> memref<640x128xf32, #tpu.memory_space<hbm>>
        tpu.wait_dma2 semaphore(%run_scoped3A : memref<!tpu.dma_semaphore, #tpu.memory_space<semaphore_mem>>) src(%dma_wait3A_52 : memref<640x128xf32, #tpu.memory_space<hbm>>) dst(%dma_wait3A_50 : memref<640x128xf32, #tpu.memory_space<vmem_shared>>)
        tpu.yield
      }) : () -> ()
    } else {
    }
    %ne3A = arith.constant 0 : i32
    %ne3A_3 = arith.cmpi ne, %arg0, %ne3A : i32
    %convert_element_type3A_4 = arith.extui %ne3A_3 : i1 to i32
    %cond3A_5 = arith.constant 0 : i32
    %cond3A_6 = arith.cmpi ne, %convert_element_type3A_4, %cond3A_5 : i32
    scf.if %cond3A_6 {
      %scan3A = arith.constant 0 : i32
      %scan3A_43 = arith.constant 128 : i32
      %scan3A_44 = arith.addi %scan3A, %scan3A_43 : i32
      %scan3A_45 = arith.constant 1 : i32
      scf.for %scan3A_67 = %scan3A to %scan3A_44 step %scan3A_45  : i32 {
        %mul3A_68 = arith.constant 1 : i32
        %mul3A_69 = arith.muli %scan3A_67, %mul3A_68 : i32
        %add3A_70 = arith.constant 0 : i32
        %add3A_71 = arith.addi %add3A_70, %mul3A_69 : i32
        %broadcast_in_dim3A = arith.constant 0.000000e+00 : f32
        %broadcast_in_dim3A_72 = vector.broadcast %broadcast_in_dim3A : f32 to vector<16xf32>
        %swap3A = arith.index_cast %add3A_71 : i32 to index
        %swap3A_73 = arith.constant 0 : index
        %swap3A_74 = tpu.vector_load %arg8[%swap3A, %swap3A_73] {strides = array<i32>} : memref<128x128xf32, #tpu.memory_space<vmem>>, vector<1x16xf32>,
        %swap3A_75 = vector.shape_cast %swap3A_74 : vector<1x16xf32> to vector<16xf32>
        %swap3A_76 = vector.shape_cast %broadcast_in_dim3A_72 : vector<16xf32> to vector<1x16xf32>
        tpu.vector_store %arg8[%swap3A, %swap3A_73], %swap3A_76 {strides = array<i32>} : memref<128x128xf32, #tpu.memory_space<vmem>>, vector<1x16xf32>,
        %broadcast_in_dim3A_77 = arith.constant 0.000000e+00 : f32
        %broadcast_in_dim3A_78 = vector.broadcast %broadcast_in_dim3A_77 : f32 to vector<16xf32>
        %swap3A_79 = arith.index_cast %add3A_71 : i32 to index
        %swap3A_80 = arith.constant 16 : index
        %swap3A_81 = tpu.vector_load %arg8[%swap3A_79, %swap3A_80] {strides = array<i32>} : memref<128x128xf32, #tpu.memory_space<vmem>>, vector<1x16xf32>,
        %swap3A_82 = vector.shape_cast %swap3A_81 : vector<1x16xf32> to vector<16xf32>
        %swap3A_83 = vector.shape_cast %broadcast_in_dim3A_78 : vector<16xf32> to vector<1x16xf32>
        tpu.vector_store %arg8[%swap3A_79, %swap3A_80], %swap3A_83 {strides = array<i32>} : memref<128x128xf32, #tpu.memory_space<vmem>>, vector<1x16xf32>,
        %broadcast_in_dim3A_84 = arith.constant 0.000000e+00 : f32
        %broadcast_in_dim3A_85 = vector.broadcast %broadcast_in_dim3A_84 : f32 to vector<16xf32>
        %swap3A_86 = arith.index_cast %add3A_71 : i32 to index
        %swap3A_87 = arith.constant 32 : index
        %swap3A_88 = tpu.vector_load %arg8[%swap3A_86, %swap3A_87] {strides = array<i32>} : memref<128x128xf32, #tpu.memory_space<vmem>>, vector<1x16xf32>,
        %swap3A_89 = vector.shape_cast %swap3A_88 : vector<1x16xf32> to vector<16xf32>
        %swap3A_90 = vector.shape_cast %broadcast_in_dim3A_85 : vector<16xf32> to vector<1x16xf32>
        tpu.vector_store %arg8[%swap3A_86, %swap3A_87], %swap3A_90 {strides = array<i32>} : memref<128x128xf32, #tpu.memory_space<vmem>>, vector<1x16xf32>,
        %broadcast_in_dim3A_91 = arith.constant 0.000000e+00 : f32
        %broadcast_in_dim3A_92 = vector.broadcast %broadcast_in_dim3A_91 : f32 to vector<16xf32>
        %swap3A_93 = arith.index_cast %add3A_71 : i32 to index
        %swap3A_94 = arith.constant 48 : index
        %swap3A_95 = tpu.vector_load %arg8[%swap3A_93, %swap3A_94] {strides = array<i32>} : memref<128x128xf32, #tpu.memory_space<vmem>>, vector<1x16xf32>,
        %swap3A_96 = vector.shape_cast %swap3A_95 : vector<1x16xf32> to vector<16xf32>
        %swap3A_97 = vector.shape_cast %broadcast_in_dim3A_92 : vector<16xf32> to vector<1x16xf32>
        tpu.vector_store %arg8[%swap3A_93, %swap3A_94], %swap3A_97 {strides = array<i32>} : memref<128x128xf32, #tpu.memory_space<vmem>>, vector<1x16xf32>,
        %broadcast_in_dim3A_98 = arith.constant 0.000000e+00 : f32
        %broadcast_in_dim3A_99 = vector.broadcast %broadcast_in_dim3A_98 : f32 to vector<16xf32>
        %swap3A_100 = arith.index_cast %add3A_71 : i32 to index
        %swap3A_101 = arith.constant 64 : index
        %swap3A_102 = tpu.vector_load %arg8[%swap3A_100, %swap3A_101] {strides = array<i32>} : memref<128x128xf32, #tpu.memory_space<vmem>>, vector<1x16xf32>,
        %swap3A_103 = vector.shape_cast %swap3A_102 : vector<1x16xf32> to vector<16xf32>
        %swap3A_104 = vector.shape_cast %broadcast_in_dim3A_99 : vector<16xf32> to vector<1x16xf32>
        tpu.vector_store %arg8[%swap3A_100, %swap3A_101], %swap3A_104 {strides = array<i32>} : memref<128x128xf32, #tpu.memory_space<vmem>>, vector<1x16xf32>,
        %broadcast_in_dim3A_105 = arith.constant 0.000000e+00 : f32
        %broadcast_in_dim3A_106 = vector.broadcast %broadcast_in_dim3A_105 : f32 to vector<16xf32>
        %swap3A_107 = arith.index_cast %add3A_71 : i32 to index
        %swap3A_108 = arith.constant 80 : index
        %swap3A_109 = tpu.vector_load %arg8[%swap3A_107, %swap3A_108] {strides = array<i32>} : memref<128x128xf32, #tpu.memory_space<vmem>>, vector<1x16xf32>,
        %swap3A_110 = vector.shape_cast %swap3A_109 : vector<1x16xf32> to vector<16xf32>
        %swap3A_111 = vector.shape_cast %broadcast_in_dim3A_106 : vector<16xf32> to vector<1x16xf32>
        tpu.vector_store %arg8[%swap3A_107, %swap3A_108], %swap3A_111 {strides = array<i32>} : memref<128x128xf32, #tpu.memory_space<vmem>>, vector<1x16xf32>,
        %broadcast_in_dim3A_112 = arith.constant 0.000000e+00 : f32
        %broadcast_in_dim3A_113 = vector.broadcast %broadcast_in_dim3A_112 : f32 to vector<16xf32>
        %swap3A_114 = arith.index_cast %add3A_71 : i32 to index
        %swap3A_115 = arith.constant 96 : index
        %swap3A_116 = tpu.vector_load %arg8[%swap3A_114, %swap3A_115] {strides = array<i32>} : memref<128x128xf32, #tpu.memory_space<vmem>>, vector<1x16xf32>,
        %swap3A_117 = vector.shape_cast %swap3A_116 : vector<1x16xf32> to vector<16xf32>
        %swap3A_118 = vector.shape_cast %broadcast_in_dim3A_113 : vector<16xf32> to vector<1x16xf32>
        tpu.vector_store %arg8[%swap3A_114, %swap3A_115], %swap3A_118 {strides = array<i32>} : memref<128x128xf32, #tpu.memory_space<vmem>>, vector<1x16xf32>,
        %broadcast_in_dim3A_119 = arith.constant 0.000000e+00 : f32
        %broadcast_in_dim3A_120 = vector.broadcast %broadcast_in_dim3A_119 : f32 to vector<16xf32>
        %swap3A_121 = arith.index_cast %add3A_71 : i32 to index
        %swap3A_122 = arith.constant 112 : index
        %swap3A_123 = tpu.vector_load %arg8[%swap3A_121, %swap3A_122] {strides = array<i32>} : memref<128x128xf32, #tpu.memory_space<vmem>>, vector<1x16xf32>,
        %swap3A_124 = vector.shape_cast %swap3A_123 : vector<1x16xf32> to vector<16xf32>
        %swap3A_125 = vector.shape_cast %broadcast_in_dim3A_120 : vector<16xf32> to vector<1x16xf32>
        tpu.vector_store %arg8[%swap3A_121, %swap3A_122], %swap3A_125 {strides = array<i32>} : memref<128x128xf32, #tpu.memory_space<vmem>>, vector<1x16xf32>,
      }
      %scan3A_46 = arith.constant 128 : i32
      %mul3A_47 = arith.constant 640 : i32
      %mul3A_48 = arith.muli %arg1, %mul3A_47 : i32
      %add3A_49 = arith.constant 0 : i32
      %add3A_50 = arith.addi %mul3A_48, %add3A_49 : i32
      "tpu.region"() ({
        %run_scoped3A = tpu.sem_alloc : memref<!tpu.dma_semaphore, #tpu.memory_space<semaphore_mem>>
        %dma_start3A = arith.constant 0 : i32
        %dma_start3A_67 = tpu.memref_slice %arg10[%add3A_50, %dma_start3A] : memref<10240x128xf32, #tpu.memory_space<vmem_shared>> -> memref<128x128xf32, #tpu.memory_space<vmem_shared>>
        %dma_start3A_68 = arith.constant 0 : i32
        %dma_start3A_69 = tpu.memref_slice %arg10[%add3A_50, %dma_start3A_68] : memref<10240x128xf32, #tpu.memory_space<vmem_shared>> -> memref<128x128xf32, #tpu.memory_space<vmem_shared>>
        tpu.enqueue_dma source(%arg8 : memref<128x128xf32, #tpu.memory_space<vmem>>) target(%dma_start3A_69 : memref<128x128xf32, #tpu.memory_space<vmem_shared>>) target_semaphore(%run_scoped3A : memref<!tpu.dma_semaphore, #tpu.memory_space<semaphore_mem>>)
        %dma_wait3A = arith.constant 0 : i32
        %dma_wait3A_70 = tpu.memref_slice %arg10[%add3A_50, %dma_wait3A] : memref<10240x128xf32, #tpu.memory_space<vmem_shared>> -> memref<128x128xf32, #tpu.memory_space<vmem_shared>>
        %dma_wait3A_71 = arith.constant 0 : i32
        %dma_wait3A_72 = tpu.memref_slice %arg10[%add3A_50, %dma_wait3A_71] : memref<10240x128xf32, #tpu.memory_space<vmem_shared>> -> memref<128x128xf32, #tpu.memory_space<vmem_shared>>
        tpu.wait_dma2 semaphore(%run_scoped3A : memref<!tpu.dma_semaphore, #tpu.memory_space<semaphore_mem>>) src(%arg8 : memref<128x128xf32, #tpu.memory_space<vmem>>) dst(%dma_wait3A_72 : memref<128x128xf32, #tpu.memory_space<vmem_shared>>)
        tpu.yield
      }) : () -> ()
      %mul3A_51 = arith.constant 640 : i32
      %mul3A_52 = arith.muli %arg1, %mul3A_51 : i32
      %add3A_53 = arith.constant 128 : i32
      %add3A_54 = arith.addi %mul3A_52, %add3A_53 : i32
      "tpu.region"() ({
        %run_scoped3A = tpu.sem_alloc : memref<!tpu.dma_semaphore, #tpu.memory_space<semaphore_mem>>
        %dma_start3A = arith.constant 0 : i32
        %dma_start3A_67 = tpu.memref_slice %arg10[%add3A_54, %dma_start3A] : memref<10240x128xf32, #tpu.memory_space<vmem_shared>> -> memref<128x128xf32, #tpu.memory_space<vmem_shared>>
        %dma_start3A_68 = arith.constant 0 : i32
        %dma_start3A_69 = tpu.memref_slice %arg10[%add3A_54, %dma_start3A_68] : memref<10240x128xf32, #tpu.memory_space<vmem_shared>> -> memref<128x128xf32, #tpu.memory_space<vmem_shared>>
        tpu.enqueue_dma source(%arg8 : memref<128x128xf32, #tpu.memory_space<vmem>>) target(%dma_start3A_69 : memref<128x128xf32, #tpu.memory_space<vmem_shared>>) target_semaphore(%run_scoped3A : memref<!tpu.dma_semaphore, #tpu.memory_space<semaphore_mem>>)
        %dma_wait3A = arith.constant 0 : i32
        %dma_wait3A_70 = tpu.memref_slice %arg10[%add3A_54, %dma_wait3A] : memref<10240x128xf32, #tpu.memory_space<vmem_shared>> -> memref<128x128xf32, #tpu.memory_space<vmem_shared>>
        %dma_wait3A_71 = arith.constant 0 : i32
        %dma_wait3A_72 = tpu.memref_slice %arg10[%add3A_54, %dma_wait3A_71] : memref<10240x128xf32, #tpu.memory_space<vmem_shared>> -> memref<128x128xf32, #tpu.memory_space<vmem_shared>>
        tpu.wait_dma2 semaphore(%run_scoped3A : memref<!tpu.dma_semaphore, #tpu.memory_space<semaphore_mem>>) src(%arg8 : memref<128x128xf32, #tpu.memory_space<vmem>>) dst(%dma_wait3A_72 : memref<128x128xf32, #tpu.memory_space<vmem_shared>>)
        tpu.yield
      }) : () -> ()
      %mul3A_55 = arith.constant 640 : i32
      %mul3A_56 = arith.muli %arg1, %mul3A_55 : i32
      %add3A_57 = arith.constant 256 : i32
      %add3A_58 = arith.addi %mul3A_56, %add3A_57 : i32
      "tpu.region"() ({
        %run_scoped3A = tpu.sem_alloc : memref<!tpu.dma_semaphore, #tpu.memory_space<semaphore_mem>>
        %dma_start3A = arith.constant 0 : i32
        %dma_start3A_67 = tpu.memref_slice %arg10[%add3A_58, %dma_start3A] : memref<10240x128xf32, #tpu.memory_space<vmem_shared>> -> memref<128x128xf32, #tpu.memory_space<vmem_shared>>
        %dma_start3A_68 = arith.constant 0 : i32
        %dma_start3A_69 = tpu.memref_slice %arg10[%add3A_58, %dma_start3A_68] : memref<10240x128xf32, #tpu.memory_space<vmem_shared>> -> memref<128x128xf32, #tpu.memory_space<vmem_shared>>
        tpu.enqueue_dma source(%arg8 : memref<128x128xf32, #tpu.memory_space<vmem>>) target(%dma_start3A_69 : memref<128x128xf32, #tpu.memory_space<vmem_shared>>) target_semaphore(%run_scoped3A : memref<!tpu.dma_semaphore, #tpu.memory_space<semaphore_mem>>)
        %dma_wait3A = arith.constant 0 : i32
        %dma_wait3A_70 = tpu.memref_slice %arg10[%add3A_58, %dma_wait3A] : memref<10240x128xf32, #tpu.memory_space<vmem_shared>> -> memref<128x128xf32, #tpu.memory_space<vmem_shared>>
        %dma_wait3A_71 = arith.constant 0 : i32
        %dma_wait3A_72 = tpu.memref_slice %arg10[%add3A_58, %dma_wait3A_71] : memref<10240x128xf32, #tpu.memory_space<vmem_shared>> -> memref<128x128xf32, #tpu.memory_space<vmem_shared>>
        tpu.wait_dma2 semaphore(%run_scoped3A : memref<!tpu.dma_semaphore, #tpu.memory_space<semaphore_mem>>) src(%arg8 : memref<128x128xf32, #tpu.memory_space<vmem>>) dst(%dma_wait3A_72 : memref<128x128xf32, #tpu.memory_space<vmem_shared>>)
        tpu.yield
      }) : () -> ()
      %mul3A_59 = arith.constant 640 : i32
      %mul3A_60 = arith.muli %arg1, %mul3A_59 : i32
      %add3A_61 = arith.constant 384 : i32
      %add3A_62 = arith.addi %mul3A_60, %add3A_61 : i32
      "tpu.region"() ({
        %run_scoped3A = tpu.sem_alloc : memref<!tpu.dma_semaphore, #tpu.memory_space<semaphore_mem>>
        %dma_start3A = arith.constant 0 : i32
        %dma_start3A_67 = tpu.memref_slice %arg10[%add3A_62, %dma_start3A] : memref<10240x128xf32, #tpu.memory_space<vmem_shared>> -> memref<128x128xf32, #tpu.memory_space<vmem_shared>>
        %dma_start3A_68 = arith.constant 0 : i32
        %dma_start3A_69 = tpu.memref_slice %arg10[%add3A_62, %dma_start3A_68] : memref<10240x128xf32, #tpu.memory_space<vmem_shared>> -> memref<128x128xf32, #tpu.memory_space<vmem_shared>>
        tpu.enqueue_dma source(%arg8 : memref<128x128xf32, #tpu.memory_space<vmem>>) target(%dma_start3A_69 : memref<128x128xf32, #tpu.memory_space<vmem_shared>>) target_semaphore(%run_scoped3A : memref<!tpu.dma_semaphore, #tpu.memory_space<semaphore_mem>>)
        %dma_wait3A = arith.constant 0 : i32
        %dma_wait3A_70 = tpu.memref_slice %arg10[%add3A_62, %dma_wait3A] : memref<10240x128xf32, #tpu.memory_space<vmem_shared>> -> memref<128x128xf32, #tpu.memory_space<vmem_shared>>
        %dma_wait3A_71 = arith.constant 0 : i32
        %dma_wait3A_72 = tpu.memref_slice %arg10[%add3A_62, %dma_wait3A_71] : memref<10240x128xf32, #tpu.memory_space<vmem_shared>> -> memref<128x128xf32, #tpu.memory_space<vmem_shared>>
        tpu.wait_dma2 semaphore(%run_scoped3A : memref<!tpu.dma_semaphore, #tpu.memory_space<semaphore_mem>>) src(%arg8 : memref<128x128xf32, #tpu.memory_space<vmem>>) dst(%dma_wait3A_72 : memref<128x128xf32, #tpu.memory_space<vmem_shared>>)
        tpu.yield
      }) : () -> ()
      %mul3A_63 = arith.constant 640 : i32
      %mul3A_64 = arith.muli %arg1, %mul3A_63 : i32
      %add3A_65 = arith.constant 512 : i32
      %add3A_66 = arith.addi %mul3A_64, %add3A_65 : i32
      "tpu.region"() ({
        %run_scoped3A = tpu.sem_alloc : memref<!tpu.dma_semaphore, #tpu.memory_space<semaphore_mem>>
        %dma_start3A = arith.constant 0 : i32
        %dma_start3A_67 = tpu.memref_slice %arg10[%add3A_66, %dma_start3A] : memref<10240x128xf32, #tpu.memory_space<vmem_shared>> -> memref<128x128xf32, #tpu.memory_space<vmem_shared>>
        %dma_start3A_68 = arith.constant 0 : i32
        %dma_start3A_69 = tpu.memref_slice %arg10[%add3A_66, %dma_start3A_68] : memref<10240x128xf32, #tpu.memory_space<vmem_shared>> -> memref<128x128xf32, #tpu.memory_space<vmem_shared>>
        tpu.enqueue_dma source(%arg8 : memref<128x128xf32, #tpu.memory_space<vmem>>) target(%dma_start3A_69 : memref<128x128xf32, #tpu.memory_space<vmem_shared>>) target_semaphore(%run_scoped3A : memref<!tpu.dma_semaphore, #tpu.memory_space<semaphore_mem>>)
        %dma_wait3A = arith.constant 0 : i32
        %dma_wait3A_70 = tpu.memref_slice %arg10[%add3A_66, %dma_wait3A] : memref<10240x128xf32, #tpu.memory_space<vmem_shared>> -> memref<128x128xf32, #tpu.memory_space<vmem_shared>>
        %dma_wait3A_71 = arith.constant 0 : i32
        %dma_wait3A_72 = tpu.memref_slice %arg10[%add3A_66, %dma_wait3A_71] : memref<10240x128xf32, #tpu.memory_space<vmem_shared>> -> memref<128x128xf32, #tpu.memory_space<vmem_shared>>
        tpu.wait_dma2 semaphore(%run_scoped3A : memref<!tpu.dma_semaphore, #tpu.memory_space<semaphore_mem>>) src(%arg8 : memref<128x128xf32, #tpu.memory_space<vmem>>) dst(%dma_wait3A_72 : memref<128x128xf32, #tpu.memory_space<vmem_shared>>)
        tpu.yield
      }) : () -> ()
    } else {
    }
    %barrier3A = arith.constant 0 : index
    tpu.barrier barrier_id(%barrier3A)
    %eq3A_7 = arith.constant 0 : i32
    %eq3A_8 = arith.cmpi eq, %arg0, %eq3A_7 : i32
    %jit3A = arith.constant 1 : i32
    %jit3A_9 = arith.constant 4 : i32
    %select_n3A = arith.select %eq3A_8, %jit3A, %jit3A_9 : i32
    %eq3A_10 = arith.constant 0 : i32
    %eq3A_11 = arith.cmpi eq, %arg0, %eq3A_10 : i32
    %mul3A_12 = arith.constant 32 : i32
    %mul3A_13 = arith.muli %arg1, %mul3A_12 : i32
    %mul3A_14 = arith.constant 128 : i32
    %mul3A_15 = arith.muli %arg1, %mul3A_14 : i32
    %add3A_16 = arith.constant 512 : i32
    %add3A_17 = arith.addi %add3A_16, %mul3A_15 : i32
    %select_n3A_18 = arith.select %eq3A_11, %mul3A_13, %add3A_17 : i32
    %gt3A = arith.constant 0 : i32
    %gt3A_19 = arith.cmpi sgt, %select_n3A, %gt3A : i32
    %convert_element_type3A_20 = arith.extui %gt3A_19 : i1 to i32
    %cond3A_21 = arith.constant 0 : i32
    %cond3A_22 = arith.cmpi ne, %convert_element_type3A_20, %cond3A_21 : i32
    scf.if %cond3A_22 {
      %add3A_43 = arith.constant 0 : i32
      %add3A_44 = arith.addi %select_n3A_18, %add3A_43 : i32
      "tpu.region"() ({
        %run_scoped3A = tpu.sem_alloc : memref<!tpu.dma_semaphore, #tpu.memory_space<semaphore_mem>>
        %dma_start3A_75 = arith.constant 0 : i32
        %dma_start3A_76 = tpu.memref_slice %arg3[%add3A_44, %dma_start3A_75] : memref<2560x128xi32, #tpu.memory_space<hbm>> -> memref<32x128xi32, #tpu.memory_space<hbm>>
        %dma_start3A_77 = arith.constant 0 : i32
        %dma_start3A_78 = tpu.memref_slice %arg3[%add3A_44, %dma_start3A_77] : memref<2560x128xi32, #tpu.memory_space<hbm>> -> memref<32x128xi32, #tpu.memory_space<hbm>>
        tpu.enqueue_dma source(%dma_start3A_78 : memref<32x128xi32, #tpu.memory_space<hbm>>) target(%arg6 : memref<32x128xi32, #tpu.memory_space<vmem>>) target_semaphore(%run_scoped3A : memref<!tpu.dma_semaphore, #tpu.memory_space<semaphore_mem>>)
        %dma_wait3A_79 = arith.constant 0 : i32
        %dma_wait3A_80 = tpu.memref_slice %arg3[%add3A_44, %dma_wait3A_79] : memref<2560x128xi32, #tpu.memory_space<hbm>> -> memref<32x128xi32, #tpu.memory_space<hbm>>
        %dma_wait3A_81 = arith.constant 0 : i32
        %dma_wait3A_82 = tpu.memref_slice %arg3[%add3A_44, %dma_wait3A_81] : memref<2560x128xi32, #tpu.memory_space<hbm>> -> memref<32x128xi32, #tpu.memory_space<hbm>>
        tpu.wait_dma2 semaphore(%run_scoped3A : memref<!tpu.dma_semaphore, #tpu.memory_space<semaphore_mem>>) src(%dma_wait3A_82 : memref<32x128xi32, #tpu.memory_space<hbm>>) dst(%arg6 : memref<32x128xi32, #tpu.memory_space<vmem>>)
        tpu.yield
      }) : () -> ()
      "tpu.region"() ({
        %run_scoped3A = tpu.sem_alloc : memref<!tpu.dma_semaphore, #tpu.memory_space<semaphore_mem>>
        %dma_start3A_75 = arith.constant 0 : i32
        %dma_start3A_76 = tpu.memref_slice %arg4[%add3A_44, %dma_start3A_75] : memref<2560x128xi32, #tpu.memory_space<hbm>> -> memref<32x128xi32, #tpu.memory_space<hbm>>
        %dma_start3A_77 = arith.constant 0 : i32
        %dma_start3A_78 = tpu.memref_slice %arg4[%add3A_44, %dma_start3A_77] : memref<2560x128xi32, #tpu.memory_space<hbm>> -> memref<32x128xi32, #tpu.memory_space<hbm>>
        tpu.enqueue_dma source(%dma_start3A_78 : memref<32x128xi32, #tpu.memory_space<hbm>>) target(%arg7 : memref<32x128xi32, #tpu.memory_space<vmem>>) target_semaphore(%run_scoped3A : memref<!tpu.dma_semaphore, #tpu.memory_space<semaphore_mem>>)
        %dma_wait3A_79 = arith.constant 0 : i32
        %dma_wait3A_80 = tpu.memref_slice %arg4[%add3A_44, %dma_wait3A_79] : memref<2560x128xi32, #tpu.memory_space<hbm>> -> memref<32x128xi32, #tpu.memory_space<hbm>>
        %dma_wait3A_81 = arith.constant 0 : i32
        %dma_wait3A_82 = tpu.memref_slice %arg4[%add3A_44, %dma_wait3A_81] : memref<2560x128xi32, #tpu.memory_space<hbm>> -> memref<32x128xi32, #tpu.memory_space<hbm>>
        tpu.wait_dma2 semaphore(%run_scoped3A : memref<!tpu.dma_semaphore, #tpu.memory_space<semaphore_mem>>) src(%dma_wait3A_82 : memref<32x128xi32, #tpu.memory_space<hbm>>) dst(%arg7 : memref<32x128xi32, #tpu.memory_space<vmem>>)
        tpu.yield
      }) : () -> ()
      %dma_start3A = arith.constant 0 : i32
      %dma_start3A_45 = arith.constant 0 : i32
      %dma_start3A_46 = tpu.memref_slice %arg6[%dma_start3A, %dma_start3A_45] : memref<32x128xi32, #tpu.memory_space<vmem>> -> memref<1x128xi32, #tpu.memory_space<vmem>>
      %dma_start3A_47 = tpu.memref_squeeze %dma_start3A_46 : memref<1x128xi32, #tpu.memory_space<vmem>> -> memref<128xi32, #tpu.memory_space<vmem>>
      %dma_start3A_48 = arith.constant 0 : i32
      %dma_start3A_49 = arith.constant 0 : i32
      %dma_start3A_50 = tpu.memref_slice %arg2[%dma_start3A_48, %dma_start3A_49] : memref<20480x128xf32, #tpu.memory_space<hbm>> -> memref<20480x128xf32, #tpu.memory_space<hbm>>
      tpu.enqueue_indirect_dma source(%dma_start3A_50 : memref<20480x128xf32, #tpu.memory_space<hbm>>) target(%arg8 : memref<128x128xf32, #tpu.memory_space<vmem>>) offsets(%dma_start3A_47 : memref<128xi32, #tpu.memory_space<vmem>>) semaphore(%arg11 : memref<!tpu.dma_semaphore, #tpu.memory_space<semaphore_mem>>)
      %dma_start3A_51 = arith.constant 1 : i32
      %dma_start3A_52 = arith.constant 0 : i32
      %dma_start3A_53 = tpu.memref_slice %arg6[%dma_start3A_51, %dma_start3A_52] : memref<32x128xi32, #tpu.memory_space<vmem>> -> memref<1x128xi32, #tpu.memory_space<vmem>>
      %dma_start3A_54 = tpu.memref_squeeze %dma_start3A_53 : memref<1x128xi32, #tpu.memory_space<vmem>> -> memref<128xi32, #tpu.memory_space<vmem>>
      %dma_start3A_55 = arith.constant 0 : i32
      %dma_start3A_56 = arith.constant 0 : i32
      %dma_start3A_57 = tpu.memref_slice %arg2[%dma_start3A_55, %dma_start3A_56] : memref<20480x128xf32, #tpu.memory_space<hbm>> -> memref<20480x128xf32, #tpu.memory_space<hbm>>
      tpu.enqueue_indirect_dma source(%dma_start3A_57 : memref<20480x128xf32, #tpu.memory_space<hbm>>) target(%arg9 : memref<128x128xf32, #tpu.memory_space<vmem>>) offsets(%dma_start3A_54 : memref<128xi32, #tpu.memory_space<vmem>>) semaphore(%arg12 : memref<!tpu.dma_semaphore, #tpu.memory_space<semaphore_mem>>)
      %scan3A = arith.constant 0 : i32
      %scan3A_58 = arith.constant 16 : i32
      %scan3A_59 = arith.addi %scan3A, %scan3A_58 : i32
      %scan3A_60 = arith.constant 1 : i32
      scf.for %scan3A_75 = %scan3A to %scan3A_59 step %scan3A_60  : i32 {
        %mul3A_76 = arith.constant 1 : i32
        %mul3A_77 = arith.muli %scan3A_75, %mul3A_76 : i32
        %add3A_78 = arith.constant 0 : i32
        %add3A_79 = arith.addi %add3A_78, %mul3A_77 : i32
        %mul3A_80 = arith.constant 2 : i32
        %mul3A_81 = arith.muli %add3A_79, %mul3A_80 : i32
        %add3A_82 = arith.constant 0 : i32
        %add3A_83 = arith.addi %mul3A_81, %add3A_82 : i32
        %dma_wait3A_84 = arith.constant 0 : i32
        %dma_wait3A_85 = tpu.memref_slice %arg6[%add3A_83, %dma_wait3A_84] : memref<32x128xi32, #tpu.memory_space<vmem>> -> memref<1x128xi32, #tpu.memory_space<vmem>>
        %dma_wait3A_86 = tpu.memref_squeeze %dma_wait3A_85 : memref<1x128xi32, #tpu.memory_space<vmem>> -> memref<128xi32, #tpu.memory_space<vmem>>
        %dma_wait3A_87 = arith.constant 0 : i32
        %dma_wait3A_88 = arith.constant 0 : i32
        %dma_wait3A_89 = tpu.memref_slice %arg2[%dma_wait3A_87, %dma_wait3A_88] : memref<20480x128xf32, #tpu.memory_space<hbm>> -> memref<20480x128xf32, #tpu.memory_space<hbm>>
        tpu.wait_indirect_dma semaphore(%arg11 : memref<!tpu.dma_semaphore, #tpu.memory_space<semaphore_mem>>) src(%dma_wait3A_89 : memref<20480x128xf32, #tpu.memory_space<hbm>>) dst(%arg8 : memref<128x128xf32, #tpu.memory_space<vmem>>)
        %dma_start3A_90 = arith.constant 0 : i32
        %dma_start3A_91 = tpu.memref_slice %arg7[%add3A_83, %dma_start3A_90] : memref<32x128xi32, #tpu.memory_space<vmem>> -> memref<1x128xi32, #tpu.memory_space<vmem>>
        %dma_start3A_92 = tpu.memref_squeeze %dma_start3A_91 : memref<1x128xi32, #tpu.memory_space<vmem>> -> memref<128xi32, #tpu.memory_space<vmem>>
        %dma_start3A_93 = arith.constant 0 : i32
        %dma_start3A_94 = arith.constant 0 : i32
        %dma_start3A_95 = tpu.memref_slice %arg10[%dma_start3A_93, %dma_start3A_94] : memref<10240x128xf32, #tpu.memory_space<vmem_shared>> -> memref<10240x128xf32, #tpu.memory_space<vmem_shared>>
        tpu.enqueue_indirect_dma source(%arg8 : memref<128x128xf32, #tpu.memory_space<vmem>>) target(%dma_start3A_95 : memref<10240x128xf32, #tpu.memory_space<vmem_shared>>) offsets(%dma_start3A_92 : memref<128xi32, #tpu.memory_space<vmem>>) semaphore(%arg13 : memref<!tpu.dma_semaphore, #tpu.memory_space<semaphore_mem>>) {add = true}
        %lt3A = arith.constant 15 : i32
        %lt3A_96 = arith.cmpi slt, %add3A_79, %lt3A : i32
        %convert_element_type3A_97 = arith.extui %lt3A_96 : i1 to i32
        %cond3A_98 = arith.constant 0 : i32
        %cond3A_99 = arith.cmpi ne, %convert_element_type3A_97, %cond3A_98 : i32
        scf.if %cond3A_99 {
          %dma_wait3A_121 = arith.constant 0 : i32
          %dma_wait3A_122 = tpu.memref_slice %arg7[%add3A_83, %dma_wait3A_121] : memref<32x128xi32, #tpu.memory_space<vmem>> -> memref<1x128xi32, #tpu.memory_space<vmem>>
          %dma_wait3A_123 = tpu.memref_squeeze %dma_wait3A_122 : memref<1x128xi32, #tpu.memory_space<vmem>> -> memref<128xi32, #tpu.memory_space<vmem>>
          %dma_wait3A_124 = arith.constant 0 : i32
          %dma_wait3A_125 = arith.constant 0 : i32
          %dma_wait3A_126 = tpu.memref_slice %arg10[%dma_wait3A_124, %dma_wait3A_125] : memref<10240x128xf32, #tpu.memory_space<vmem_shared>> -> memref<10240x128xf32, #tpu.memory_space<vmem_shared>>
          tpu.wait_indirect_dma semaphore(%arg13 : memref<!tpu.dma_semaphore, #tpu.memory_space<semaphore_mem>>) src(%arg8 : memref<128x128xf32, #tpu.memory_space<vmem>>) dst(%dma_wait3A_126 : memref<10240x128xf32, #tpu.memory_space<vmem_shared>>)
          %add3A_127 = arith.constant 2 : i32
          %add3A_128 = arith.addi %add3A_83, %add3A_127 : i32
          %dma_start3A_129 = arith.constant 0 : i32
          %dma_start3A_130 = tpu.memref_slice %arg6[%add3A_128, %dma_start3A_129] : memref<32x128xi32, #tpu.memory_space<vmem>> -> memref<1x128xi32, #tpu.memory_space<vmem>>
          %dma_start3A_131 = tpu.memref_squeeze %dma_start3A_130 : memref<1x128xi32, #tpu.memory_space<vmem>> -> memref<128xi32, #tpu.memory_space<vmem>>
          %dma_start3A_132 = arith.constant 0 : i32
          %dma_start3A_133 = arith.constant 0 : i32
          %dma_start3A_134 = tpu.memref_slice %arg2[%dma_start3A_132, %dma_start3A_133] : memref<20480x128xf32, #tpu.memory_space<hbm>> -> memref<20480x128xf32, #tpu.memory_space<hbm>>
          tpu.enqueue_indirect_dma source(%dma_start3A_134 : memref<20480x128xf32, #tpu.memory_space<hbm>>) target(%arg8 : memref<128x128xf32, #tpu.memory_space<vmem>>) offsets(%dma_start3A_131 : memref<128xi32, #tpu.memory_space<vmem>>) semaphore(%arg11 : memref<!tpu.dma_semaphore, #tpu.memory_space<semaphore_mem>>)
        } else {
        }
        %mul3A_100 = arith.constant 2 : i32
        %mul3A_101 = arith.muli %add3A_79, %mul3A_100 : i32
        %add3A_102 = arith.constant 1 : i32
        %add3A_103 = arith.addi %mul3A_101, %add3A_102 : i32
        %dma_wait3A_104 = arith.constant 0 : i32
        %dma_wait3A_105 = tpu.memref_slice %arg6[%add3A_103, %dma_wait3A_104] : memref<32x128xi32, #tpu.memory_space<vmem>> -> memref<1x128xi32, #tpu.memory_space<vmem>>
        %dma_wait3A_106 = tpu.memref_squeeze %dma_wait3A_105 : memref<1x128xi32, #tpu.memory_space<vmem>> -> memref<128xi32, #tpu.memory_space<vmem>>
        %dma_wait3A_107 = arith.constant 0 : i32
        %dma_wait3A_108 = arith.constant 0 : i32
        %dma_wait3A_109 = tpu.memref_slice %arg2[%dma_wait3A_107, %dma_wait3A_108] : memref<20480x128xf32, #tpu.memory_space<hbm>> -> memref<20480x128xf32, #tpu.memory_space<hbm>>
        tpu.wait_indirect_dma semaphore(%arg12 : memref<!tpu.dma_semaphore, #tpu.memory_space<semaphore_mem>>) src(%dma_wait3A_109 : memref<20480x128xf32, #tpu.memory_space<hbm>>) dst(%arg9 : memref<128x128xf32, #tpu.memory_space<vmem>>)
        %dma_start3A_110 = arith.constant 0 : i32
        %dma_start3A_111 = tpu.memref_slice %arg7[%add3A_103, %dma_start3A_110] : memref<32x128xi32, #tpu.memory_space<vmem>> -> memref<1x128xi32, #tpu.memory_space<vmem>>
        %dma_start3A_112 = tpu.memref_squeeze %dma_start3A_111 : memref<1x128xi32, #tpu.memory_space<vmem>> -> memref<128xi32, #tpu.memory_space<vmem>>
        %dma_start3A_113 = arith.constant 0 : i32
        %dma_start3A_114 = arith.constant 0 : i32
        %dma_start3A_115 = tpu.memref_slice %arg10[%dma_start3A_113, %dma_start3A_114] : memref<10240x128xf32, #tpu.memory_space<vmem_shared>> -> memref<10240x128xf32, #tpu.memory_space<vmem_shared>>
        tpu.enqueue_indirect_dma source(%arg9 : memref<128x128xf32, #tpu.memory_space<vmem>>) target(%dma_start3A_115 : memref<10240x128xf32, #tpu.memory_space<vmem_shared>>) offsets(%dma_start3A_112 : memref<128xi32, #tpu.memory_space<vmem>>) semaphore(%arg14 : memref<!tpu.dma_semaphore, #tpu.memory_space<semaphore_mem>>) {add = true}
        %lt3A_116 = arith.constant 15 : i32
        %lt3A_117 = arith.cmpi slt, %add3A_79, %lt3A_116 : i32
        %convert_element_type3A_118 = arith.extui %lt3A_117 : i1 to i32
        %cond3A_119 = arith.constant 0 : i32
        %cond3A_120 = arith.cmpi ne, %convert_element_type3A_118, %cond3A_119 : i32
        scf.if %cond3A_120 {
          %dma_wait3A_121 = arith.constant 0 : i32
          %dma_wait3A_122 = tpu.memref_slice %arg7[%add3A_103, %dma_wait3A_121] : memref<32x128xi32, #tpu.memory_space<vmem>> -> memref<1x128xi32, #tpu.memory_space<vmem>>
          %dma_wait3A_123 = tpu.memref_squeeze %dma_wait3A_122 : memref<1x128xi32, #tpu.memory_space<vmem>> -> memref<128xi32, #tpu.memory_space<vmem>>
          %dma_wait3A_124 = arith.constant 0 : i32
          %dma_wait3A_125 = arith.constant 0 : i32
          %dma_wait3A_126 = tpu.memref_slice %arg10[%dma_wait3A_124, %dma_wait3A_125] : memref<10240x128xf32, #tpu.memory_space<vmem_shared>> -> memref<10240x128xf32, #tpu.memory_space<vmem_shared>>
          tpu.wait_indirect_dma semaphore(%arg14 : memref<!tpu.dma_semaphore, #tpu.memory_space<semaphore_mem>>) src(%arg9 : memref<128x128xf32, #tpu.memory_space<vmem>>) dst(%dma_wait3A_126 : memref<10240x128xf32, #tpu.memory_space<vmem_shared>>)
          %add3A_127 = arith.constant 2 : i32
          %add3A_128 = arith.addi %add3A_103, %add3A_127 : i32
          %dma_start3A_129 = arith.constant 0 : i32
          %dma_start3A_130 = tpu.memref_slice %arg6[%add3A_128, %dma_start3A_129] : memref<32x128xi32, #tpu.memory_space<vmem>> -> memref<1x128xi32, #tpu.memory_space<vmem>>
          %dma_start3A_131 = tpu.memref_squeeze %dma_start3A_130 : memref<1x128xi32, #tpu.memory_space<vmem>> -> memref<128xi32, #tpu.memory_space<vmem>>
          %dma_start3A_132 = arith.constant 0 : i32
          %dma_start3A_133 = arith.constant 0 : i32
          %dma_start3A_134 = tpu.memref_slice %arg2[%dma_start3A_132, %dma_start3A_133] : memref<20480x128xf32, #tpu.memory_space<hbm>> -> memref<20480x128xf32, #tpu.memory_space<hbm>>
          tpu.enqueue_indirect_dma source(%dma_start3A_134 : memref<20480x128xf32, #tpu.memory_space<hbm>>) target(%arg9 : memref<128x128xf32, #tpu.memory_space<vmem>>) offsets(%dma_start3A_131 : memref<128xi32, #tpu.memory_space<vmem>>) semaphore(%arg12 : memref<!tpu.dma_semaphore, #tpu.memory_space<semaphore_mem>>)
        } else {
        }
      }
      %scan3A_61 = arith.constant 16 : i32
      %dma_wait3A = arith.constant 30 : i32
      %dma_wait3A_62 = arith.constant 0 : i32
      %dma_wait3A_63 = tpu.memref_slice %arg7[%dma_wait3A, %dma_wait3A_62] : memref<32x128xi32, #tpu.memory_space<vmem>> -> memref<1x128xi32, #tpu.memory_space<vmem>>
      %dma_wait3A_64 = tpu.memref_squeeze %dma_wait3A_63 : memref<1x128xi32, #tpu.memory_space<vmem>> -> memref<128xi32, #tpu.memory_space<vmem>>
      %dma_wait3A_65 = arith.constant 0 : i32
      %dma_wait3A_66 = arith.constant 0 : i32
      %dma_wait3A_67 = tpu.memref_slice %arg10[%dma_wait3A_65, %dma_wait3A_66] : memref<10240x128xf32, #tpu.memory_space<vmem_shared>> -> memref<10240x128xf32, #tpu.memory_space<vmem_shared>>
      tpu.wait_indirect_dma semaphore(%arg13 : memref<!tpu.dma_semaphore, #tpu.memory_space<semaphore_mem>>) src(%arg8 : memref<128x128xf32, #tpu.memory_space<vmem>>) dst(%dma_wait3A_67 : memref<10240x128xf32, #tpu.memory_space<vmem_shared>>)
      %dma_wait3A_68 = arith.constant 31 : i32
      %dma_wait3A_69 = arith.constant 0 : i32
      %dma_wait3A_70 = tpu.memref_slice %arg7[%dma_wait3A_68, %dma_wait3A_69] : memref<32x128xi32, #tpu.memory_space<vmem>> -> memref<1x128xi32, #tpu.memory_space<vmem>>
      %dma_wait3A_71 = tpu.memref_squeeze %dma_wait3A_70 : memref<1x128xi32, #tpu.memory_space<vmem>> -> memref<128xi32, #tpu.memory_space<vmem>>
      %dma_wait3A_72 = arith.constant 0 : i32
      %dma_wait3A_73 = arith.constant 0 : i32
      %dma_wait3A_74 = tpu.memref_slice %arg10[%dma_wait3A_72, %dma_wait3A_73] : memref<10240x128xf32, #tpu.memory_space<vmem_shared>> -> memref<10240x128xf32, #tpu.memory_space<vmem_shared>>
      tpu.wait_indirect_dma semaphore(%arg14 : memref<!tpu.dma_semaphore, #tpu.memory_space<semaphore_mem>>) src(%arg9 : memref<128x128xf32, #tpu.memory_space<vmem>>) dst(%dma_wait3A_74 : memref<10240x128xf32, #tpu.memory_space<vmem_shared>>)
    } else {
    }
    %gt3A_23 = arith.constant 1 : i32
    %gt3A_24 = arith.cmpi sgt, %select_n3A, %gt3A_23 : i32
    %convert_element_type3A_25 = arith.extui %gt3A_24 : i1 to i32
    %cond3A_26 = arith.constant 0 : i32
    %cond3A_27 = arith.cmpi ne, %convert_element_type3A_25, %cond3A_26 : i32
    scf.if %cond3A_27 {
      %add3A_43 = arith.constant 32 : i32
      %add3A_44 = arith.addi %select_n3A_18, %add3A_43 : i32
      "tpu.region"() ({
        %run_scoped3A = tpu.sem_alloc : memref<!tpu.dma_semaphore, #tpu.memory_space<semaphore_mem>>
        %dma_start3A_75 = arith.constant 0 : i32
        %dma_start3A_76 = tpu.memref_slice %arg3[%add3A_44, %dma_start3A_75] : memref<2560x128xi32, #tpu.memory_space<hbm>> -> memref<32x128xi32, #tpu.memory_space<hbm>>
        %dma_start3A_77 = arith.constant 0 : i32
        %dma_start3A_78 = tpu.memref_slice %arg3[%add3A_44, %dma_start3A_77] : memref<2560x128xi32, #tpu.memory_space<hbm>> -> memref<32x128xi32, #tpu.memory_space<hbm>>
        tpu.enqueue_dma source(%dma_start3A_78 : memref<32x128xi32, #tpu.memory_space<hbm>>) target(%arg6 : memref<32x128xi32, #tpu.memory_space<vmem>>) target_semaphore(%run_scoped3A : memref<!tpu.dma_semaphore, #tpu.memory_space<semaphore_mem>>)
        %dma_wait3A_79 = arith.constant 0 : i32
        %dma_wait3A_80 = tpu.memref_slice %arg3[%add3A_44, %dma_wait3A_79] : memref<2560x128xi32, #tpu.memory_space<hbm>> -> memref<32x128xi32, #tpu.memory_space<hbm>>
        %dma_wait3A_81 = arith.constant 0 : i32
        %dma_wait3A_82 = tpu.memref_slice %arg3[%add3A_44, %dma_wait3A_81] : memref<2560x128xi32, #tpu.memory_space<hbm>> -> memref<32x128xi32, #tpu.memory_space<hbm>>
        tpu.wait_dma2 semaphore(%run_scoped3A : memref<!tpu.dma_semaphore, #tpu.memory_space<semaphore_mem>>) src(%dma_wait3A_82 : memref<32x128xi32, #tpu.memory_space<hbm>>) dst(%arg6 : memref<32x128xi32, #tpu.memory_space<vmem>>)
        tpu.yield
      }) : () -> ()
      "tpu.region"() ({
        %run_scoped3A = tpu.sem_alloc : memref<!tpu.dma_semaphore, #tpu.memory_space<semaphore_mem>>
        %dma_start3A_75 = arith.constant 0 : i32
        %dma_start3A_76 = tpu.memref_slice %arg4[%add3A_44, %dma_start3A_75] : memref<2560x128xi32, #tpu.memory_space<hbm>> -> memref<32x128xi32, #tpu.memory_space<hbm>>
        %dma_start3A_77 = arith.constant 0 : i32
        %dma_start3A_78 = tpu.memref_slice %arg4[%add3A_44, %dma_start3A_77] : memref<2560x128xi32, #tpu.memory_space<hbm>> -> memref<32x128xi32, #tpu.memory_space<hbm>>
        tpu.enqueue_dma source(%dma_start3A_78 : memref<32x128xi32, #tpu.memory_space<hbm>>) target(%arg7 : memref<32x128xi32, #tpu.memory_space<vmem>>) target_semaphore(%run_scoped3A : memref<!tpu.dma_semaphore, #tpu.memory_space<semaphore_mem>>)
        %dma_wait3A_79 = arith.constant 0 : i32
        %dma_wait3A_80 = tpu.memref_slice %arg4[%add3A_44, %dma_wait3A_79] : memref<2560x128xi32, #tpu.memory_space<hbm>> -> memref<32x128xi32, #tpu.memory_space<hbm>>
        %dma_wait3A_81 = arith.constant 0 : i32
        %dma_wait3A_82 = tpu.memref_slice %arg4[%add3A_44, %dma_wait3A_81] : memref<2560x128xi32, #tpu.memory_space<hbm>> -> memref<32x128xi32, #tpu.memory_space<hbm>>
        tpu.wait_dma2 semaphore(%run_scoped3A : memref<!tpu.dma_semaphore, #tpu.memory_space<semaphore_mem>>) src(%dma_wait3A_82 : memref<32x128xi32, #tpu.memory_space<hbm>>) dst(%arg7 : memref<32x128xi32, #tpu.memory_space<vmem>>)
        tpu.yield
      }) : () -> ()
      %dma_start3A = arith.constant 0 : i32
      %dma_start3A_45 = arith.constant 0 : i32
      %dma_start3A_46 = tpu.memref_slice %arg6[%dma_start3A, %dma_start3A_45] : memref<32x128xi32, #tpu.memory_space<vmem>> -> memref<1x128xi32, #tpu.memory_space<vmem>>
      %dma_start3A_47 = tpu.memref_squeeze %dma_start3A_46 : memref<1x128xi32, #tpu.memory_space<vmem>> -> memref<128xi32, #tpu.memory_space<vmem>>
      %dma_start3A_48 = arith.constant 0 : i32
      %dma_start3A_49 = arith.constant 0 : i32
      %dma_start3A_50 = tpu.memref_slice %arg2[%dma_start3A_48, %dma_start3A_49] : memref<20480x128xf32, #tpu.memory_space<hbm>> -> memref<20480x128xf32, #tpu.memory_space<hbm>>
      tpu.enqueue_indirect_dma source(%dma_start3A_50 : memref<20480x128xf32, #tpu.memory_space<hbm>>) target(%arg8 : memref<128x128xf32, #tpu.memory_space<vmem>>) offsets(%dma_start3A_47 : memref<128xi32, #tpu.memory_space<vmem>>) semaphore(%arg11 : memref<!tpu.dma_semaphore, #tpu.memory_space<semaphore_mem>>)
      %dma_start3A_51 = arith.constant 1 : i32
      %dma_start3A_52 = arith.constant 0 : i32
      %dma_start3A_53 = tpu.memref_slice %arg6[%dma_start3A_51, %dma_start3A_52] : memref<32x128xi32, #tpu.memory_space<vmem>> -> memref<1x128xi32, #tpu.memory_space<vmem>>
      %dma_start3A_54 = tpu.memref_squeeze %dma_start3A_53 : memref<1x128xi32, #tpu.memory_space<vmem>> -> memref<128xi32, #tpu.memory_space<vmem>>
      %dma_start3A_55 = arith.constant 0 : i32
      %dma_start3A_56 = arith.constant 0 : i32
      %dma_start3A_57 = tpu.memref_slice %arg2[%dma_start3A_55, %dma_start3A_56] : memref<20480x128xf32, #tpu.memory_space<hbm>> -> memref<20480x128xf32, #tpu.memory_space<hbm>>
      tpu.enqueue_indirect_dma source(%dma_start3A_57 : memref<20480x128xf32, #tpu.memory_space<hbm>>) target(%arg9 : memref<128x128xf32, #tpu.memory_space<vmem>>) offsets(%dma_start3A_54 : memref<128xi32, #tpu.memory_space<vmem>>) semaphore(%arg12 : memref<!tpu.dma_semaphore, #tpu.memory_space<semaphore_mem>>)
      %scan3A = arith.constant 0 : i32
      %scan3A_58 = arith.constant 16 : i32
      %scan3A_59 = arith.addi %scan3A, %scan3A_58 : i32
      %scan3A_60 = arith.constant 1 : i32
      scf.for %scan3A_75 = %scan3A to %scan3A_59 step %scan3A_60  : i32 {
        %mul3A_76 = arith.constant 1 : i32
        %mul3A_77 = arith.muli %scan3A_75, %mul3A_76 : i32
        %add3A_78 = arith.constant 0 : i32
        %add3A_79 = arith.addi %add3A_78, %mul3A_77 : i32
        %mul3A_80 = arith.constant 2 : i32
        %mul3A_81 = arith.muli %add3A_79, %mul3A_80 : i32
        %add3A_82 = arith.constant 0 : i32
        %add3A_83 = arith.addi %mul3A_81, %add3A_82 : i32
        %dma_wait3A_84 = arith.constant 0 : i32
        %dma_wait3A_85 = tpu.memref_slice %arg6[%add3A_83, %dma_wait3A_84] : memref<32x128xi32, #tpu.memory_space<vmem>> -> memref<1x128xi32, #tpu.memory_space<vmem>>
        %dma_wait3A_86 = tpu.memref_squeeze %dma_wait3A_85 : memref<1x128xi32, #tpu.memory_space<vmem>> -> memref<128xi32, #tpu.memory_space<vmem>>
        %dma_wait3A_87 = arith.constant 0 : i32
        %dma_wait3A_88 = arith.constant 0 : i32
        %dma_wait3A_89 = tpu.memref_slice %arg2[%dma_wait3A_87, %dma_wait3A_88] : memref<20480x128xf32, #tpu.memory_space<hbm>> -> memref<20480x128xf32, #tpu.memory_space<hbm>>
        tpu.wait_indirect_dma semaphore(%arg11 : memref<!tpu.dma_semaphore, #tpu.memory_space<semaphore_mem>>) src(%dma_wait3A_89 : memref<20480x128xf32, #tpu.memory_space<hbm>>) dst(%arg8 : memref<128x128xf32, #tpu.memory_space<vmem>>)
        %dma_start3A_90 = arith.constant 0 : i32
        %dma_start3A_91 = tpu.memref_slice %arg7[%add3A_83, %dma_start3A_90] : memref<32x128xi32, #tpu.memory_space<vmem>> -> memref<1x128xi32, #tpu.memory_space<vmem>>
        %dma_start3A_92 = tpu.memref_squeeze %dma_start3A_91 : memref<1x128xi32, #tpu.memory_space<vmem>> -> memref<128xi32, #tpu.memory_space<vmem>>
        %dma_start3A_93 = arith.constant 0 : i32
        %dma_start3A_94 = arith.constant 0 : i32
        %dma_start3A_95 = tpu.memref_slice %arg10[%dma_start3A_93, %dma_start3A_94] : memref<10240x128xf32, #tpu.memory_space<vmem_shared>> -> memref<10240x128xf32, #tpu.memory_space<vmem_shared>>
        tpu.enqueue_indirect_dma source(%arg8 : memref<128x128xf32, #tpu.memory_space<vmem>>) target(%dma_start3A_95 : memref<10240x128xf32, #tpu.memory_space<vmem_shared>>) offsets(%dma_start3A_92 : memref<128xi32, #tpu.memory_space<vmem>>) semaphore(%arg13 : memref<!tpu.dma_semaphore, #tpu.memory_space<semaphore_mem>>) {add = true}
        %lt3A = arith.constant 15 : i32
        %lt3A_96 = arith.cmpi slt, %add3A_79, %lt3A : i32
        %convert_element_type3A_97 = arith.extui %lt3A_96 : i1 to i32
        %cond3A_98 = arith.constant 0 : i32
        %cond3A_99 = arith.cmpi ne, %convert_element_type3A_97, %cond3A_98 : i32
        scf.if %cond3A_99 {
          %dma_wait3A_121 = arith.constant 0 : i32
          %dma_wait3A_122 = tpu.memref_slice %arg7[%add3A_83, %dma_wait3A_121] : memref<32x128xi32, #tpu.memory_space<vmem>> -> memref<1x128xi32, #tpu.memory_space<vmem>>
          %dma_wait3A_123 = tpu.memref_squeeze %dma_wait3A_122 : memref<1x128xi32, #tpu.memory_space<vmem>> -> memref<128xi32, #tpu.memory_space<vmem>>
          %dma_wait3A_124 = arith.constant 0 : i32
          %dma_wait3A_125 = arith.constant 0 : i32
          %dma_wait3A_126 = tpu.memref_slice %arg10[%dma_wait3A_124, %dma_wait3A_125] : memref<10240x128xf32, #tpu.memory_space<vmem_shared>> -> memref<10240x128xf32, #tpu.memory_space<vmem_shared>>
          tpu.wait_indirect_dma semaphore(%arg13 : memref<!tpu.dma_semaphore, #tpu.memory_space<semaphore_mem>>) src(%arg8 : memref<128x128xf32, #tpu.memory_space<vmem>>) dst(%dma_wait3A_126 : memref<10240x128xf32, #tpu.memory_space<vmem_shared>>)
          %add3A_127 = arith.constant 2 : i32
          %add3A_128 = arith.addi %add3A_83, %add3A_127 : i32
          %dma_start3A_129 = arith.constant 0 : i32
          %dma_start3A_130 = tpu.memref_slice %arg6[%add3A_128, %dma_start3A_129] : memref<32x128xi32, #tpu.memory_space<vmem>> -> memref<1x128xi32, #tpu.memory_space<vmem>>
          %dma_start3A_131 = tpu.memref_squeeze %dma_start3A_130 : memref<1x128xi32, #tpu.memory_space<vmem>> -> memref<128xi32, #tpu.memory_space<vmem>>
          %dma_start3A_132 = arith.constant 0 : i32
          %dma_start3A_133 = arith.constant 0 : i32
          %dma_start3A_134 = tpu.memref_slice %arg2[%dma_start3A_132, %dma_start3A_133] : memref<20480x128xf32, #tpu.memory_space<hbm>> -> memref<20480x128xf32, #tpu.memory_space<hbm>>
          tpu.enqueue_indirect_dma source(%dma_start3A_134 : memref<20480x128xf32, #tpu.memory_space<hbm>>) target(%arg8 : memref<128x128xf32, #tpu.memory_space<vmem>>) offsets(%dma_start3A_131 : memref<128xi32, #tpu.memory_space<vmem>>) semaphore(%arg11 : memref<!tpu.dma_semaphore, #tpu.memory_space<semaphore_mem>>)
        } else {
        }
        %mul3A_100 = arith.constant 2 : i32
        %mul3A_101 = arith.muli %add3A_79, %mul3A_100 : i32
        %add3A_102 = arith.constant 1 : i32
        %add3A_103 = arith.addi %mul3A_101, %add3A_102 : i32
        %dma_wait3A_104 = arith.constant 0 : i32
        %dma_wait3A_105 = tpu.memref_slice %arg6[%add3A_103, %dma_wait3A_104] : memref<32x128xi32, #tpu.memory_space<vmem>> -> memref<1x128xi32, #tpu.memory_space<vmem>>
        %dma_wait3A_106 = tpu.memref_squeeze %dma_wait3A_105 : memref<1x128xi32, #tpu.memory_space<vmem>> -> memref<128xi32, #tpu.memory_space<vmem>>
        %dma_wait3A_107 = arith.constant 0 : i32
        %dma_wait3A_108 = arith.constant 0 : i32
        %dma_wait3A_109 = tpu.memref_slice %arg2[%dma_wait3A_107, %dma_wait3A_108] : memref<20480x128xf32, #tpu.memory_space<hbm>> -> memref<20480x128xf32, #tpu.memory_space<hbm>>
        tpu.wait_indirect_dma semaphore(%arg12 : memref<!tpu.dma_semaphore, #tpu.memory_space<semaphore_mem>>) src(%dma_wait3A_109 : memref<20480x128xf32, #tpu.memory_space<hbm>>) dst(%arg9 : memref<128x128xf32, #tpu.memory_space<vmem>>)
        %dma_start3A_110 = arith.constant 0 : i32
        %dma_start3A_111 = tpu.memref_slice %arg7[%add3A_103, %dma_start3A_110] : memref<32x128xi32, #tpu.memory_space<vmem>> -> memref<1x128xi32, #tpu.memory_space<vmem>>
        %dma_start3A_112 = tpu.memref_squeeze %dma_start3A_111 : memref<1x128xi32, #tpu.memory_space<vmem>> -> memref<128xi32, #tpu.memory_space<vmem>>
        %dma_start3A_113 = arith.constant 0 : i32
        %dma_start3A_114 = arith.constant 0 : i32
        %dma_start3A_115 = tpu.memref_slice %arg10[%dma_start3A_113, %dma_start3A_114] : memref<10240x128xf32, #tpu.memory_space<vmem_shared>> -> memref<10240x128xf32, #tpu.memory_space<vmem_shared>>
        tpu.enqueue_indirect_dma source(%arg9 : memref<128x128xf32, #tpu.memory_space<vmem>>) target(%dma_start3A_115 : memref<10240x128xf32, #tpu.memory_space<vmem_shared>>) offsets(%dma_start3A_112 : memref<128xi32, #tpu.memory_space<vmem>>) semaphore(%arg14 : memref<!tpu.dma_semaphore, #tpu.memory_space<semaphore_mem>>) {add = true}
        %lt3A_116 = arith.constant 15 : i32
        %lt3A_117 = arith.cmpi slt, %add3A_79, %lt3A_116 : i32
        %convert_element_type3A_118 = arith.extui %lt3A_117 : i1 to i32
        %cond3A_119 = arith.constant 0 : i32
        %cond3A_120 = arith.cmpi ne, %convert_element_type3A_118, %cond3A_119 : i32
        scf.if %cond3A_120 {
          %dma_wait3A_121 = arith.constant 0 : i32
          %dma_wait3A_122 = tpu.memref_slice %arg7[%add3A_103, %dma_wait3A_121] : memref<32x128xi32, #tpu.memory_space<vmem>> -> memref<1x128xi32, #tpu.memory_space<vmem>>
          %dma_wait3A_123 = tpu.memref_squeeze %dma_wait3A_122 : memref<1x128xi32, #tpu.memory_space<vmem>> -> memref<128xi32, #tpu.memory_space<vmem>>
          %dma_wait3A_124 = arith.constant 0 : i32
          %dma_wait3A_125 = arith.constant 0 : i32
          %dma_wait3A_126 = tpu.memref_slice %arg10[%dma_wait3A_124, %dma_wait3A_125] : memref<10240x128xf32, #tpu.memory_space<vmem_shared>> -> memref<10240x128xf32, #tpu.memory_space<vmem_shared>>
          tpu.wait_indirect_dma semaphore(%arg14 : memref<!tpu.dma_semaphore, #tpu.memory_space<semaphore_mem>>) src(%arg9 : memref<128x128xf32, #tpu.memory_space<vmem>>) dst(%dma_wait3A_126 : memref<10240x128xf32, #tpu.memory_space<vmem_shared>>)
          %add3A_127 = arith.constant 2 : i32
          %add3A_128 = arith.addi %add3A_103, %add3A_127 : i32
          %dma_start3A_129 = arith.constant 0 : i32
          %dma_start3A_130 = tpu.memref_slice %arg6[%add3A_128, %dma_start3A_129] : memref<32x128xi32, #tpu.memory_space<vmem>> -> memref<1x128xi32, #tpu.memory_space<vmem>>
          %dma_start3A_131 = tpu.memref_squeeze %dma_start3A_130 : memref<1x128xi32, #tpu.memory_space<vmem>> -> memref<128xi32, #tpu.memory_space<vmem>>
          %dma_start3A_132 = arith.constant 0 : i32
          %dma_start3A_133 = arith.constant 0 : i32
          %dma_start3A_134 = tpu.memref_slice %arg2[%dma_start3A_132, %dma_start3A_133] : memref<20480x128xf32, #tpu.memory_space<hbm>> -> memref<20480x128xf32, #tpu.memory_space<hbm>>
          tpu.enqueue_indirect_dma source(%dma_start3A_134 : memref<20480x128xf32, #tpu.memory_space<hbm>>) target(%arg9 : memref<128x128xf32, #tpu.memory_space<vmem>>) offsets(%dma_start3A_131 : memref<128xi32, #tpu.memory_space<vmem>>) semaphore(%arg12 : memref<!tpu.dma_semaphore, #tpu.memory_space<semaphore_mem>>)
        } else {
        }
      }
      %scan3A_61 = arith.constant 16 : i32
      %dma_wait3A = arith.constant 30 : i32
      %dma_wait3A_62 = arith.constant 0 : i32
      %dma_wait3A_63 = tpu.memref_slice %arg7[%dma_wait3A, %dma_wait3A_62] : memref<32x128xi32, #tpu.memory_space<vmem>> -> memref<1x128xi32, #tpu.memory_space<vmem>>
      %dma_wait3A_64 = tpu.memref_squeeze %dma_wait3A_63 : memref<1x128xi32, #tpu.memory_space<vmem>> -> memref<128xi32, #tpu.memory_space<vmem>>
      %dma_wait3A_65 = arith.constant 0 : i32
      %dma_wait3A_66 = arith.constant 0 : i32
      %dma_wait3A_67 = tpu.memref_slice %arg10[%dma_wait3A_65, %dma_wait3A_66] : memref<10240x128xf32, #tpu.memory_space<vmem_shared>> -> memref<10240x128xf32, #tpu.memory_space<vmem_shared>>
      tpu.wait_indirect_dma semaphore(%arg13 : memref<!tpu.dma_semaphore, #tpu.memory_space<semaphore_mem>>) src(%arg8 : memref<128x128xf32, #tpu.memory_space<vmem>>) dst(%dma_wait3A_67 : memref<10240x128xf32, #tpu.memory_space<vmem_shared>>)
      %dma_wait3A_68 = arith.constant 31 : i32
      %dma_wait3A_69 = arith.constant 0 : i32
      %dma_wait3A_70 = tpu.memref_slice %arg7[%dma_wait3A_68, %dma_wait3A_69] : memref<32x128xi32, #tpu.memory_space<vmem>> -> memref<1x128xi32, #tpu.memory_space<vmem>>
      %dma_wait3A_71 = tpu.memref_squeeze %dma_wait3A_70 : memref<1x128xi32, #tpu.memory_space<vmem>> -> memref<128xi32, #tpu.memory_space<vmem>>
      %dma_wait3A_72 = arith.constant 0 : i32
      %dma_wait3A_73 = arith.constant 0 : i32
      %dma_wait3A_74 = tpu.memref_slice %arg10[%dma_wait3A_72, %dma_wait3A_73] : memref<10240x128xf32, #tpu.memory_space<vmem_shared>> -> memref<10240x128xf32, #tpu.memory_space<vmem_shared>>
      tpu.wait_indirect_dma semaphore(%arg14 : memref<!tpu.dma_semaphore, #tpu.memory_space<semaphore_mem>>) src(%arg9 : memref<128x128xf32, #tpu.memory_space<vmem>>) dst(%dma_wait3A_74 : memref<10240x128xf32, #tpu.memory_space<vmem_shared>>)
    } else {
    }
    %gt3A_28 = arith.constant 2 : i32
    %gt3A_29 = arith.cmpi sgt, %select_n3A, %gt3A_28 : i32
    %convert_element_type3A_30 = arith.extui %gt3A_29 : i1 to i32
    %cond3A_31 = arith.constant 0 : i32
    %cond3A_32 = arith.cmpi ne, %convert_element_type3A_30, %cond3A_31 : i32
    scf.if %cond3A_32 {
      %add3A_43 = arith.constant 64 : i32
      %add3A_44 = arith.addi %select_n3A_18, %add3A_43 : i32
      "tpu.region"() ({
        %run_scoped3A = tpu.sem_alloc : memref<!tpu.dma_semaphore, #tpu.memory_space<semaphore_mem>>
        %dma_start3A_75 = arith.constant 0 : i32
        %dma_start3A_76 = tpu.memref_slice %arg3[%add3A_44, %dma_start3A_75] : memref<2560x128xi32, #tpu.memory_space<hbm>> -> memref<32x128xi32, #tpu.memory_space<hbm>>
        %dma_start3A_77 = arith.constant 0 : i32
        %dma_start3A_78 = tpu.memref_slice %arg3[%add3A_44, %dma_start3A_77] : memref<2560x128xi32, #tpu.memory_space<hbm>> -> memref<32x128xi32, #tpu.memory_space<hbm>>
        tpu.enqueue_dma source(%dma_start3A_78 : memref<32x128xi32, #tpu.memory_space<hbm>>) target(%arg6 : memref<32x128xi32, #tpu.memory_space<vmem>>) target_semaphore(%run_scoped3A : memref<!tpu.dma_semaphore, #tpu.memory_space<semaphore_mem>>)
        %dma_wait3A_79 = arith.constant 0 : i32
        %dma_wait3A_80 = tpu.memref_slice %arg3[%add3A_44, %dma_wait3A_79] : memref<2560x128xi32, #tpu.memory_space<hbm>> -> memref<32x128xi32, #tpu.memory_space<hbm>>
        %dma_wait3A_81 = arith.constant 0 : i32
        %dma_wait3A_82 = tpu.memref_slice %arg3[%add3A_44, %dma_wait3A_81] : memref<2560x128xi32, #tpu.memory_space<hbm>> -> memref<32x128xi32, #tpu.memory_space<hbm>>
        tpu.wait_dma2 semaphore(%run_scoped3A : memref<!tpu.dma_semaphore, #tpu.memory_space<semaphore_mem>>) src(%dma_wait3A_82 : memref<32x128xi32, #tpu.memory_space<hbm>>) dst(%arg6 : memref<32x128xi32, #tpu.memory_space<vmem>>)
        tpu.yield
      }) : () -> ()
      "tpu.region"() ({
        %run_scoped3A = tpu.sem_alloc : memref<!tpu.dma_semaphore, #tpu.memory_space<semaphore_mem>>
        %dma_start3A_75 = arith.constant 0 : i32
        %dma_start3A_76 = tpu.memref_slice %arg4[%add3A_44, %dma_start3A_75] : memref<2560x128xi32, #tpu.memory_space<hbm>> -> memref<32x128xi32, #tpu.memory_space<hbm>>
        %dma_start3A_77 = arith.constant 0 : i32
        %dma_start3A_78 = tpu.memref_slice %arg4[%add3A_44, %dma_start3A_77] : memref<2560x128xi32, #tpu.memory_space<hbm>> -> memref<32x128xi32, #tpu.memory_space<hbm>>
        tpu.enqueue_dma source(%dma_start3A_78 : memref<32x128xi32, #tpu.memory_space<hbm>>) target(%arg7 : memref<32x128xi32, #tpu.memory_space<vmem>>) target_semaphore(%run_scoped3A : memref<!tpu.dma_semaphore, #tpu.memory_space<semaphore_mem>>)
        %dma_wait3A_79 = arith.constant 0 : i32
        %dma_wait3A_80 = tpu.memref_slice %arg4[%add3A_44, %dma_wait3A_79] : memref<2560x128xi32, #tpu.memory_space<hbm>> -> memref<32x128xi32, #tpu.memory_space<hbm>>
        %dma_wait3A_81 = arith.constant 0 : i32
        %dma_wait3A_82 = tpu.memref_slice %arg4[%add3A_44, %dma_wait3A_81] : memref<2560x128xi32, #tpu.memory_space<hbm>> -> memref<32x128xi32, #tpu.memory_space<hbm>>
        tpu.wait_dma2 semaphore(%run_scoped3A : memref<!tpu.dma_semaphore, #tpu.memory_space<semaphore_mem>>) src(%dma_wait3A_82 : memref<32x128xi32, #tpu.memory_space<hbm>>) dst(%arg7 : memref<32x128xi32, #tpu.memory_space<vmem>>)
        tpu.yield
      }) : () -> ()
      %dma_start3A = arith.constant 0 : i32
      %dma_start3A_45 = arith.constant 0 : i32
      %dma_start3A_46 = tpu.memref_slice %arg6[%dma_start3A, %dma_start3A_45] : memref<32x128xi32, #tpu.memory_space<vmem>> -> memref<1x128xi32, #tpu.memory_space<vmem>>
      %dma_start3A_47 = tpu.memref_squeeze %dma_start3A_46 : memref<1x128xi32, #tpu.memory_space<vmem>> -> memref<128xi32, #tpu.memory_space<vmem>>
      %dma_start3A_48 = arith.constant 0 : i32
      %dma_start3A_49 = arith.constant 0 : i32
      %dma_start3A_50 = tpu.memref_slice %arg2[%dma_start3A_48, %dma_start3A_49] : memref<20480x128xf32, #tpu.memory_space<hbm>> -> memref<20480x128xf32, #tpu.memory_space<hbm>>
      tpu.enqueue_indirect_dma source(%dma_start3A_50 : memref<20480x128xf32, #tpu.memory_space<hbm>>) target(%arg8 : memref<128x128xf32, #tpu.memory_space<vmem>>) offsets(%dma_start3A_47 : memref<128xi32, #tpu.memory_space<vmem>>) semaphore(%arg11 : memref<!tpu.dma_semaphore, #tpu.memory_space<semaphore_mem>>)
      %dma_start3A_51 = arith.constant 1 : i32
      %dma_start3A_52 = arith.constant 0 : i32
      %dma_start3A_53 = tpu.memref_slice %arg6[%dma_start3A_51, %dma_start3A_52] : memref<32x128xi32, #tpu.memory_space<vmem>> -> memref<1x128xi32, #tpu.memory_space<vmem>>
      %dma_start3A_54 = tpu.memref_squeeze %dma_start3A_53 : memref<1x128xi32, #tpu.memory_space<vmem>> -> memref<128xi32, #tpu.memory_space<vmem>>
      %dma_start3A_55 = arith.constant 0 : i32
      %dma_start3A_56 = arith.constant 0 : i32
      %dma_start3A_57 = tpu.memref_slice %arg2[%dma_start3A_55, %dma_start3A_56] : memref<20480x128xf32, #tpu.memory_space<hbm>> -> memref<20480x128xf32, #tpu.memory_space<hbm>>
      tpu.enqueue_indirect_dma source(%dma_start3A_57 : memref<20480x128xf32, #tpu.memory_space<hbm>>) target(%arg9 : memref<128x128xf32, #tpu.memory_space<vmem>>) offsets(%dma_start3A_54 : memref<128xi32, #tpu.memory_space<vmem>>) semaphore(%arg12 : memref<!tpu.dma_semaphore, #tpu.memory_space<semaphore_mem>>)
      %scan3A = arith.constant 0 : i32
      %scan3A_58 = arith.constant 16 : i32
      %scan3A_59 = arith.addi %scan3A, %scan3A_58 : i32
      %scan3A_60 = arith.constant 1 : i32
      scf.for %scan3A_75 = %scan3A to %scan3A_59 step %scan3A_60  : i32 {
        %mul3A_76 = arith.constant 1 : i32
        %mul3A_77 = arith.muli %scan3A_75, %mul3A_76 : i32
        %add3A_78 = arith.constant 0 : i32
        %add3A_79 = arith.addi %add3A_78, %mul3A_77 : i32
        %mul3A_80 = arith.constant 2 : i32
        %mul3A_81 = arith.muli %add3A_79, %mul3A_80 : i32
        %add3A_82 = arith.constant 0 : i32
        %add3A_83 = arith.addi %mul3A_81, %add3A_82 : i32
        %dma_wait3A_84 = arith.constant 0 : i32
        %dma_wait3A_85 = tpu.memref_slice %arg6[%add3A_83, %dma_wait3A_84] : memref<32x128xi32, #tpu.memory_space<vmem>> -> memref<1x128xi32, #tpu.memory_space<vmem>>
        %dma_wait3A_86 = tpu.memref_squeeze %dma_wait3A_85 : memref<1x128xi32, #tpu.memory_space<vmem>> -> memref<128xi32, #tpu.memory_space<vmem>>
        %dma_wait3A_87 = arith.constant 0 : i32
        %dma_wait3A_88 = arith.constant 0 : i32
        %dma_wait3A_89 = tpu.memref_slice %arg2[%dma_wait3A_87, %dma_wait3A_88] : memref<20480x128xf32, #tpu.memory_space<hbm>> -> memref<20480x128xf32, #tpu.memory_space<hbm>>
        tpu.wait_indirect_dma semaphore(%arg11 : memref<!tpu.dma_semaphore, #tpu.memory_space<semaphore_mem>>) src(%dma_wait3A_89 : memref<20480x128xf32, #tpu.memory_space<hbm>>) dst(%arg8 : memref<128x128xf32, #tpu.memory_space<vmem>>)
        %dma_start3A_90 = arith.constant 0 : i32
        %dma_start3A_91 = tpu.memref_slice %arg7[%add3A_83, %dma_start3A_90] : memref<32x128xi32, #tpu.memory_space<vmem>> -> memref<1x128xi32, #tpu.memory_space<vmem>>
        %dma_start3A_92 = tpu.memref_squeeze %dma_start3A_91 : memref<1x128xi32, #tpu.memory_space<vmem>> -> memref<128xi32, #tpu.memory_space<vmem>>
        %dma_start3A_93 = arith.constant 0 : i32
        %dma_start3A_94 = arith.constant 0 : i32
        %dma_start3A_95 = tpu.memref_slice %arg10[%dma_start3A_93, %dma_start3A_94] : memref<10240x128xf32, #tpu.memory_space<vmem_shared>> -> memref<10240x128xf32, #tpu.memory_space<vmem_shared>>
        tpu.enqueue_indirect_dma source(%arg8 : memref<128x128xf32, #tpu.memory_space<vmem>>) target(%dma_start3A_95 : memref<10240x128xf32, #tpu.memory_space<vmem_shared>>) offsets(%dma_start3A_92 : memref<128xi32, #tpu.memory_space<vmem>>) semaphore(%arg13 : memref<!tpu.dma_semaphore, #tpu.memory_space<semaphore_mem>>) {add = true}
        %lt3A = arith.constant 15 : i32
        %lt3A_96 = arith.cmpi slt, %add3A_79, %lt3A : i32
        %convert_element_type3A_97 = arith.extui %lt3A_96 : i1 to i32
        %cond3A_98 = arith.constant 0 : i32
        %cond3A_99 = arith.cmpi ne, %convert_element_type3A_97, %cond3A_98 : i32
        scf.if %cond3A_99 {
          %dma_wait3A_121 = arith.constant 0 : i32
          %dma_wait3A_122 = tpu.memref_slice %arg7[%add3A_83, %dma_wait3A_121] : memref<32x128xi32, #tpu.memory_space<vmem>> -> memref<1x128xi32, #tpu.memory_space<vmem>>
          %dma_wait3A_123 = tpu.memref_squeeze %dma_wait3A_122 : memref<1x128xi32, #tpu.memory_space<vmem>> -> memref<128xi32, #tpu.memory_space<vmem>>
          %dma_wait3A_124 = arith.constant 0 : i32
          %dma_wait3A_125 = arith.constant 0 : i32
          %dma_wait3A_126 = tpu.memref_slice %arg10[%dma_wait3A_124, %dma_wait3A_125] : memref<10240x128xf32, #tpu.memory_space<vmem_shared>> -> memref<10240x128xf32, #tpu.memory_space<vmem_shared>>
          tpu.wait_indirect_dma semaphore(%arg13 : memref<!tpu.dma_semaphore, #tpu.memory_space<semaphore_mem>>) src(%arg8 : memref<128x128xf32, #tpu.memory_space<vmem>>) dst(%dma_wait3A_126 : memref<10240x128xf32, #tpu.memory_space<vmem_shared>>)
          %add3A_127 = arith.constant 2 : i32
          %add3A_128 = arith.addi %add3A_83, %add3A_127 : i32
          %dma_start3A_129 = arith.constant 0 : i32
          %dma_start3A_130 = tpu.memref_slice %arg6[%add3A_128, %dma_start3A_129] : memref<32x128xi32, #tpu.memory_space<vmem>> -> memref<1x128xi32, #tpu.memory_space<vmem>>
          %dma_start3A_131 = tpu.memref_squeeze %dma_start3A_130 : memref<1x128xi32, #tpu.memory_space<vmem>> -> memref<128xi32, #tpu.memory_space<vmem>>
          %dma_start3A_132 = arith.constant 0 : i32
          %dma_start3A_133 = arith.constant 0 : i32
          %dma_start3A_134 = tpu.memref_slice %arg2[%dma_start3A_132, %dma_start3A_133] : memref<20480x128xf32, #tpu.memory_space<hbm>> -> memref<20480x128xf32, #tpu.memory_space<hbm>>
          tpu.enqueue_indirect_dma source(%dma_start3A_134 : memref<20480x128xf32, #tpu.memory_space<hbm>>) target(%arg8 : memref<128x128xf32, #tpu.memory_space<vmem>>) offsets(%dma_start3A_131 : memref<128xi32, #tpu.memory_space<vmem>>) semaphore(%arg11 : memref<!tpu.dma_semaphore, #tpu.memory_space<semaphore_mem>>)
        } else {
        }
        %mul3A_100 = arith.constant 2 : i32
        %mul3A_101 = arith.muli %add3A_79, %mul3A_100 : i32
        %add3A_102 = arith.constant 1 : i32
        %add3A_103 = arith.addi %mul3A_101, %add3A_102 : i32
        %dma_wait3A_104 = arith.constant 0 : i32
        %dma_wait3A_105 = tpu.memref_slice %arg6[%add3A_103, %dma_wait3A_104] : memref<32x128xi32, #tpu.memory_space<vmem>> -> memref<1x128xi32, #tpu.memory_space<vmem>>
        %dma_wait3A_106 = tpu.memref_squeeze %dma_wait3A_105 : memref<1x128xi32, #tpu.memory_space<vmem>> -> memref<128xi32, #tpu.memory_space<vmem>>
        %dma_wait3A_107 = arith.constant 0 : i32
        %dma_wait3A_108 = arith.constant 0 : i32
        %dma_wait3A_109 = tpu.memref_slice %arg2[%dma_wait3A_107, %dma_wait3A_108] : memref<20480x128xf32, #tpu.memory_space<hbm>> -> memref<20480x128xf32, #tpu.memory_space<hbm>>
        tpu.wait_indirect_dma semaphore(%arg12 : memref<!tpu.dma_semaphore, #tpu.memory_space<semaphore_mem>>) src(%dma_wait3A_109 : memref<20480x128xf32, #tpu.memory_space<hbm>>) dst(%arg9 : memref<128x128xf32, #tpu.memory_space<vmem>>)
        %dma_start3A_110 = arith.constant 0 : i32
        %dma_start3A_111 = tpu.memref_slice %arg7[%add3A_103, %dma_start3A_110] : memref<32x128xi32, #tpu.memory_space<vmem>> -> memref<1x128xi32, #tpu.memory_space<vmem>>
        %dma_start3A_112 = tpu.memref_squeeze %dma_start3A_111 : memref<1x128xi32, #tpu.memory_space<vmem>> -> memref<128xi32, #tpu.memory_space<vmem>>
        %dma_start3A_113 = arith.constant 0 : i32
        %dma_start3A_114 = arith.constant 0 : i32
        %dma_start3A_115 = tpu.memref_slice %arg10[%dma_start3A_113, %dma_start3A_114] : memref<10240x128xf32, #tpu.memory_space<vmem_shared>> -> memref<10240x128xf32, #tpu.memory_space<vmem_shared>>
        tpu.enqueue_indirect_dma source(%arg9 : memref<128x128xf32, #tpu.memory_space<vmem>>) target(%dma_start3A_115 : memref<10240x128xf32, #tpu.memory_space<vmem_shared>>) offsets(%dma_start3A_112 : memref<128xi32, #tpu.memory_space<vmem>>) semaphore(%arg14 : memref<!tpu.dma_semaphore, #tpu.memory_space<semaphore_mem>>) {add = true}
        %lt3A_116 = arith.constant 15 : i32
        %lt3A_117 = arith.cmpi slt, %add3A_79, %lt3A_116 : i32
        %convert_element_type3A_118 = arith.extui %lt3A_117 : i1 to i32
        %cond3A_119 = arith.constant 0 : i32
        %cond3A_120 = arith.cmpi ne, %convert_element_type3A_118, %cond3A_119 : i32
        scf.if %cond3A_120 {
          %dma_wait3A_121 = arith.constant 0 : i32
          %dma_wait3A_122 = tpu.memref_slice %arg7[%add3A_103, %dma_wait3A_121] : memref<32x128xi32, #tpu.memory_space<vmem>> -> memref<1x128xi32, #tpu.memory_space<vmem>>
          %dma_wait3A_123 = tpu.memref_squeeze %dma_wait3A_122 : memref<1x128xi32, #tpu.memory_space<vmem>> -> memref<128xi32, #tpu.memory_space<vmem>>
          %dma_wait3A_124 = arith.constant 0 : i32
          %dma_wait3A_125 = arith.constant 0 : i32
          %dma_wait3A_126 = tpu.memref_slice %arg10[%dma_wait3A_124, %dma_wait3A_125] : memref<10240x128xf32, #tpu.memory_space<vmem_shared>> -> memref<10240x128xf32, #tpu.memory_space<vmem_shared>>
          tpu.wait_indirect_dma semaphore(%arg14 : memref<!tpu.dma_semaphore, #tpu.memory_space<semaphore_mem>>) src(%arg9 : memref<128x128xf32, #tpu.memory_space<vmem>>) dst(%dma_wait3A_126 : memref<10240x128xf32, #tpu.memory_space<vmem_shared>>)
          %add3A_127 = arith.constant 2 : i32
          %add3A_128 = arith.addi %add3A_103, %add3A_127 : i32
          %dma_start3A_129 = arith.constant 0 : i32
          %dma_start3A_130 = tpu.memref_slice %arg6[%add3A_128, %dma_start3A_129] : memref<32x128xi32, #tpu.memory_space<vmem>> -> memref<1x128xi32, #tpu.memory_space<vmem>>
          %dma_start3A_131 = tpu.memref_squeeze %dma_start3A_130 : memref<1x128xi32, #tpu.memory_space<vmem>> -> memref<128xi32, #tpu.memory_space<vmem>>
          %dma_start3A_132 = arith.constant 0 : i32
          %dma_start3A_133 = arith.constant 0 : i32
          %dma_start3A_134 = tpu.memref_slice %arg2[%dma_start3A_132, %dma_start3A_133] : memref<20480x128xf32, #tpu.memory_space<hbm>> -> memref<20480x128xf32, #tpu.memory_space<hbm>>
          tpu.enqueue_indirect_dma source(%dma_start3A_134 : memref<20480x128xf32, #tpu.memory_space<hbm>>) target(%arg9 : memref<128x128xf32, #tpu.memory_space<vmem>>) offsets(%dma_start3A_131 : memref<128xi32, #tpu.memory_space<vmem>>) semaphore(%arg12 : memref<!tpu.dma_semaphore, #tpu.memory_space<semaphore_mem>>)
        } else {
        }
      }
      %scan3A_61 = arith.constant 16 : i32
      %dma_wait3A = arith.constant 30 : i32
      %dma_wait3A_62 = arith.constant 0 : i32
      %dma_wait3A_63 = tpu.memref_slice %arg7[%dma_wait3A, %dma_wait3A_62] : memref<32x128xi32, #tpu.memory_space<vmem>> -> memref<1x128xi32, #tpu.memory_space<vmem>>
      %dma_wait3A_64 = tpu.memref_squeeze %dma_wait3A_63 : memref<1x128xi32, #tpu.memory_space<vmem>> -> memref<128xi32, #tpu.memory_space<vmem>>
      %dma_wait3A_65 = arith.constant 0 : i32
      %dma_wait3A_66 = arith.constant 0 : i32
      %dma_wait3A_67 = tpu.memref_slice %arg10[%dma_wait3A_65, %dma_wait3A_66] : memref<10240x128xf32, #tpu.memory_space<vmem_shared>> -> memref<10240x128xf32, #tpu.memory_space<vmem_shared>>
      tpu.wait_indirect_dma semaphore(%arg13 : memref<!tpu.dma_semaphore, #tpu.memory_space<semaphore_mem>>) src(%arg8 : memref<128x128xf32, #tpu.memory_space<vmem>>) dst(%dma_wait3A_67 : memref<10240x128xf32, #tpu.memory_space<vmem_shared>>)
      %dma_wait3A_68 = arith.constant 31 : i32
      %dma_wait3A_69 = arith.constant 0 : i32
      %dma_wait3A_70 = tpu.memref_slice %arg7[%dma_wait3A_68, %dma_wait3A_69] : memref<32x128xi32, #tpu.memory_space<vmem>> -> memref<1x128xi32, #tpu.memory_space<vmem>>
      %dma_wait3A_71 = tpu.memref_squeeze %dma_wait3A_70 : memref<1x128xi32, #tpu.memory_space<vmem>> -> memref<128xi32, #tpu.memory_space<vmem>>
      %dma_wait3A_72 = arith.constant 0 : i32
      %dma_wait3A_73 = arith.constant 0 : i32
      %dma_wait3A_74 = tpu.memref_slice %arg10[%dma_wait3A_72, %dma_wait3A_73] : memref<10240x128xf32, #tpu.memory_space<vmem_shared>> -> memref<10240x128xf32, #tpu.memory_space<vmem_shared>>
      tpu.wait_indirect_dma semaphore(%arg14 : memref<!tpu.dma_semaphore, #tpu.memory_space<semaphore_mem>>) src(%arg9 : memref<128x128xf32, #tpu.memory_space<vmem>>) dst(%dma_wait3A_74 : memref<10240x128xf32, #tpu.memory_space<vmem_shared>>)
    } else {
    }
    %gt3A_33 = arith.constant 3 : i32
    %gt3A_34 = arith.cmpi sgt, %select_n3A, %gt3A_33 : i32
    %convert_element_type3A_35 = arith.extui %gt3A_34 : i1 to i32
    %cond3A_36 = arith.constant 0 : i32
    %cond3A_37 = arith.cmpi ne, %convert_element_type3A_35, %cond3A_36 : i32
    scf.if %cond3A_37 {
      %add3A_43 = arith.constant 96 : i32
      %add3A_44 = arith.addi %select_n3A_18, %add3A_43 : i32
      "tpu.region"() ({
        %run_scoped3A = tpu.sem_alloc : memref<!tpu.dma_semaphore, #tpu.memory_space<semaphore_mem>>
        %dma_start3A_75 = arith.constant 0 : i32
        %dma_start3A_76 = tpu.memref_slice %arg3[%add3A_44, %dma_start3A_75] : memref<2560x128xi32, #tpu.memory_space<hbm>> -> memref<32x128xi32, #tpu.memory_space<hbm>>
        %dma_start3A_77 = arith.constant 0 : i32
        %dma_start3A_78 = tpu.memref_slice %arg3[%add3A_44, %dma_start3A_77] : memref<2560x128xi32, #tpu.memory_space<hbm>> -> memref<32x128xi32, #tpu.memory_space<hbm>>
        tpu.enqueue_dma source(%dma_start3A_78 : memref<32x128xi32, #tpu.memory_space<hbm>>) target(%arg6 : memref<32x128xi32, #tpu.memory_space<vmem>>) target_semaphore(%run_scoped3A : memref<!tpu.dma_semaphore, #tpu.memory_space<semaphore_mem>>)
        %dma_wait3A_79 = arith.constant 0 : i32
        %dma_wait3A_80 = tpu.memref_slice %arg3[%add3A_44, %dma_wait3A_79] : memref<2560x128xi32, #tpu.memory_space<hbm>> -> memref<32x128xi32, #tpu.memory_space<hbm>>
        %dma_wait3A_81 = arith.constant 0 : i32
        %dma_wait3A_82 = tpu.memref_slice %arg3[%add3A_44, %dma_wait3A_81] : memref<2560x128xi32, #tpu.memory_space<hbm>> -> memref<32x128xi32, #tpu.memory_space<hbm>>
        tpu.wait_dma2 semaphore(%run_scoped3A : memref<!tpu.dma_semaphore, #tpu.memory_space<semaphore_mem>>) src(%dma_wait3A_82 : memref<32x128xi32, #tpu.memory_space<hbm>>) dst(%arg6 : memref<32x128xi32, #tpu.memory_space<vmem>>)
        tpu.yield
      }) : () -> ()
      "tpu.region"() ({
        %run_scoped3A = tpu.sem_alloc : memref<!tpu.dma_semaphore, #tpu.memory_space<semaphore_mem>>
        %dma_start3A_75 = arith.constant 0 : i32
        %dma_start3A_76 = tpu.memref_slice %arg4[%add3A_44, %dma_start3A_75] : memref<2560x128xi32, #tpu.memory_space<hbm>> -> memref<32x128xi32, #tpu.memory_space<hbm>>
        %dma_start3A_77 = arith.constant 0 : i32
        %dma_start3A_78 = tpu.memref_slice %arg4[%add3A_44, %dma_start3A_77] : memref<2560x128xi32, #tpu.memory_space<hbm>> -> memref<32x128xi32, #tpu.memory_space<hbm>>
        tpu.enqueue_dma source(%dma_start3A_78 : memref<32x128xi32, #tpu.memory_space<hbm>>) target(%arg7 : memref<32x128xi32, #tpu.memory_space<vmem>>) target_semaphore(%run_scoped3A : memref<!tpu.dma_semaphore, #tpu.memory_space<semaphore_mem>>)
        %dma_wait3A_79 = arith.constant 0 : i32
        %dma_wait3A_80 = tpu.memref_slice %arg4[%add3A_44, %dma_wait3A_79] : memref<2560x128xi32, #tpu.memory_space<hbm>> -> memref<32x128xi32, #tpu.memory_space<hbm>>
        %dma_wait3A_81 = arith.constant 0 : i32
        %dma_wait3A_82 = tpu.memref_slice %arg4[%add3A_44, %dma_wait3A_81] : memref<2560x128xi32, #tpu.memory_space<hbm>> -> memref<32x128xi32, #tpu.memory_space<hbm>>
        tpu.wait_dma2 semaphore(%run_scoped3A : memref<!tpu.dma_semaphore, #tpu.memory_space<semaphore_mem>>) src(%dma_wait3A_82 : memref<32x128xi32, #tpu.memory_space<hbm>>) dst(%arg7 : memref<32x128xi32, #tpu.memory_space<vmem>>)
        tpu.yield
      }) : () -> ()
      %dma_start3A = arith.constant 0 : i32
      %dma_start3A_45 = arith.constant 0 : i32
      %dma_start3A_46 = tpu.memref_slice %arg6[%dma_start3A, %dma_start3A_45] : memref<32x128xi32, #tpu.memory_space<vmem>> -> memref<1x128xi32, #tpu.memory_space<vmem>>
      %dma_start3A_47 = tpu.memref_squeeze %dma_start3A_46 : memref<1x128xi32, #tpu.memory_space<vmem>> -> memref<128xi32, #tpu.memory_space<vmem>>
      %dma_start3A_48 = arith.constant 0 : i32
      %dma_start3A_49 = arith.constant 0 : i32
      %dma_start3A_50 = tpu.memref_slice %arg2[%dma_start3A_48, %dma_start3A_49] : memref<20480x128xf32, #tpu.memory_space<hbm>> -> memref<20480x128xf32, #tpu.memory_space<hbm>>
      tpu.enqueue_indirect_dma source(%dma_start3A_50 : memref<20480x128xf32, #tpu.memory_space<hbm>>) target(%arg8 : memref<128x128xf32, #tpu.memory_space<vmem>>) offsets(%dma_start3A_47 : memref<128xi32, #tpu.memory_space<vmem>>) semaphore(%arg11 : memref<!tpu.dma_semaphore, #tpu.memory_space<semaphore_mem>>)
      %dma_start3A_51 = arith.constant 1 : i32
      %dma_start3A_52 = arith.constant 0 : i32
      %dma_start3A_53 = tpu.memref_slice %arg6[%dma_start3A_51, %dma_start3A_52] : memref<32x128xi32, #tpu.memory_space<vmem>> -> memref<1x128xi32, #tpu.memory_space<vmem>>
      %dma_start3A_54 = tpu.memref_squeeze %dma_start3A_53 : memref<1x128xi32, #tpu.memory_space<vmem>> -> memref<128xi32, #tpu.memory_space<vmem>>
      %dma_start3A_55 = arith.constant 0 : i32
      %dma_start3A_56 = arith.constant 0 : i32
      %dma_start3A_57 = tpu.memref_slice %arg2[%dma_start3A_55, %dma_start3A_56] : memref<20480x128xf32, #tpu.memory_space<hbm>> -> memref<20480x128xf32, #tpu.memory_space<hbm>>
      tpu.enqueue_indirect_dma source(%dma_start3A_57 : memref<20480x128xf32, #tpu.memory_space<hbm>>) target(%arg9 : memref<128x128xf32, #tpu.memory_space<vmem>>) offsets(%dma_start3A_54 : memref<128xi32, #tpu.memory_space<vmem>>) semaphore(%arg12 : memref<!tpu.dma_semaphore, #tpu.memory_space<semaphore_mem>>)
      %scan3A = arith.constant 0 : i32
      %scan3A_58 = arith.constant 16 : i32
      %scan3A_59 = arith.addi %scan3A, %scan3A_58 : i32
      %scan3A_60 = arith.constant 1 : i32
      scf.for %scan3A_75 = %scan3A to %scan3A_59 step %scan3A_60  : i32 {
        %mul3A_76 = arith.constant 1 : i32
        %mul3A_77 = arith.muli %scan3A_75, %mul3A_76 : i32
        %add3A_78 = arith.constant 0 : i32
        %add3A_79 = arith.addi %add3A_78, %mul3A_77 : i32
        %mul3A_80 = arith.constant 2 : i32
        %mul3A_81 = arith.muli %add3A_79, %mul3A_80 : i32
        %add3A_82 = arith.constant 0 : i32
        %add3A_83 = arith.addi %mul3A_81, %add3A_82 : i32
        %dma_wait3A_84 = arith.constant 0 : i32
        %dma_wait3A_85 = tpu.memref_slice %arg6[%add3A_83, %dma_wait3A_84] : memref<32x128xi32, #tpu.memory_space<vmem>> -> memref<1x128xi32, #tpu.memory_space<vmem>>
        %dma_wait3A_86 = tpu.memref_squeeze %dma_wait3A_85 : memref<1x128xi32, #tpu.memory_space<vmem>> -> memref<128xi32, #tpu.memory_space<vmem>>
        %dma_wait3A_87 = arith.constant 0 : i32
        %dma_wait3A_88 = arith.constant 0 : i32
        %dma_wait3A_89 = tpu.memref_slice %arg2[%dma_wait3A_87, %dma_wait3A_88] : memref<20480x128xf32, #tpu.memory_space<hbm>> -> memref<20480x128xf32, #tpu.memory_space<hbm>>
        tpu.wait_indirect_dma semaphore(%arg11 : memref<!tpu.dma_semaphore, #tpu.memory_space<semaphore_mem>>) src(%dma_wait3A_89 : memref<20480x128xf32, #tpu.memory_space<hbm>>) dst(%arg8 : memref<128x128xf32, #tpu.memory_space<vmem>>)
        %dma_start3A_90 = arith.constant 0 : i32
        %dma_start3A_91 = tpu.memref_slice %arg7[%add3A_83, %dma_start3A_90] : memref<32x128xi32, #tpu.memory_space<vmem>> -> memref<1x128xi32, #tpu.memory_space<vmem>>
        %dma_start3A_92 = tpu.memref_squeeze %dma_start3A_91 : memref<1x128xi32, #tpu.memory_space<vmem>> -> memref<128xi32, #tpu.memory_space<vmem>>
        %dma_start3A_93 = arith.constant 0 : i32
        %dma_start3A_94 = arith.constant 0 : i32
        %dma_start3A_95 = tpu.memref_slice %arg10[%dma_start3A_93, %dma_start3A_94] : memref<10240x128xf32, #tpu.memory_space<vmem_shared>> -> memref<10240x128xf32, #tpu.memory_space<vmem_shared>>
        tpu.enqueue_indirect_dma source(%arg8 : memref<128x128xf32, #tpu.memory_space<vmem>>) target(%dma_start3A_95 : memref<10240x128xf32, #tpu.memory_space<vmem_shared>>) offsets(%dma_start3A_92 : memref<128xi32, #tpu.memory_space<vmem>>) semaphore(%arg13 : memref<!tpu.dma_semaphore, #tpu.memory_space<semaphore_mem>>) {add = true}
        %lt3A = arith.constant 15 : i32
        %lt3A_96 = arith.cmpi slt, %add3A_79, %lt3A : i32
        %convert_element_type3A_97 = arith.extui %lt3A_96 : i1 to i32
        %cond3A_98 = arith.constant 0 : i32
        %cond3A_99 = arith.cmpi ne, %convert_element_type3A_97, %cond3A_98 : i32
        scf.if %cond3A_99 {
          %dma_wait3A_121 = arith.constant 0 : i32
          %dma_wait3A_122 = tpu.memref_slice %arg7[%add3A_83, %dma_wait3A_121] : memref<32x128xi32, #tpu.memory_space<vmem>> -> memref<1x128xi32, #tpu.memory_space<vmem>>
          %dma_wait3A_123 = tpu.memref_squeeze %dma_wait3A_122 : memref<1x128xi32, #tpu.memory_space<vmem>> -> memref<128xi32, #tpu.memory_space<vmem>>
          %dma_wait3A_124 = arith.constant 0 : i32
          %dma_wait3A_125 = arith.constant 0 : i32
          %dma_wait3A_126 = tpu.memref_slice %arg10[%dma_wait3A_124, %dma_wait3A_125] : memref<10240x128xf32, #tpu.memory_space<vmem_shared>> -> memref<10240x128xf32, #tpu.memory_space<vmem_shared>>
          tpu.wait_indirect_dma semaphore(%arg13 : memref<!tpu.dma_semaphore, #tpu.memory_space<semaphore_mem>>) src(%arg8 : memref<128x128xf32, #tpu.memory_space<vmem>>) dst(%dma_wait3A_126 : memref<10240x128xf32, #tpu.memory_space<vmem_shared>>)
          %add3A_127 = arith.constant 2 : i32
          %add3A_128 = arith.addi %add3A_83, %add3A_127 : i32
          %dma_start3A_129 = arith.constant 0 : i32
          %dma_start3A_130 = tpu.memref_slice %arg6[%add3A_128, %dma_start3A_129] : memref<32x128xi32, #tpu.memory_space<vmem>> -> memref<1x128xi32, #tpu.memory_space<vmem>>
          %dma_start3A_131 = tpu.memref_squeeze %dma_start3A_130 : memref<1x128xi32, #tpu.memory_space<vmem>> -> memref<128xi32, #tpu.memory_space<vmem>>
          %dma_start3A_132 = arith.constant 0 : i32
          %dma_start3A_133 = arith.constant 0 : i32
          %dma_start3A_134 = tpu.memref_slice %arg2[%dma_start3A_132, %dma_start3A_133] : memref<20480x128xf32, #tpu.memory_space<hbm>> -> memref<20480x128xf32, #tpu.memory_space<hbm>>
          tpu.enqueue_indirect_dma source(%dma_start3A_134 : memref<20480x128xf32, #tpu.memory_space<hbm>>) target(%arg8 : memref<128x128xf32, #tpu.memory_space<vmem>>) offsets(%dma_start3A_131 : memref<128xi32, #tpu.memory_space<vmem>>) semaphore(%arg11 : memref<!tpu.dma_semaphore, #tpu.memory_space<semaphore_mem>>)
        } else {
        }
        %mul3A_100 = arith.constant 2 : i32
        %mul3A_101 = arith.muli %add3A_79, %mul3A_100 : i32
        %add3A_102 = arith.constant 1 : i32
        %add3A_103 = arith.addi %mul3A_101, %add3A_102 : i32
        %dma_wait3A_104 = arith.constant 0 : i32
        %dma_wait3A_105 = tpu.memref_slice %arg6[%add3A_103, %dma_wait3A_104] : memref<32x128xi32, #tpu.memory_space<vmem>> -> memref<1x128xi32, #tpu.memory_space<vmem>>
        %dma_wait3A_106 = tpu.memref_squeeze %dma_wait3A_105 : memref<1x128xi32, #tpu.memory_space<vmem>> -> memref<128xi32, #tpu.memory_space<vmem>>
        %dma_wait3A_107 = arith.constant 0 : i32
        %dma_wait3A_108 = arith.constant 0 : i32
        %dma_wait3A_109 = tpu.memref_slice %arg2[%dma_wait3A_107, %dma_wait3A_108] : memref<20480x128xf32, #tpu.memory_space<hbm>> -> memref<20480x128xf32, #tpu.memory_space<hbm>>
        tpu.wait_indirect_dma semaphore(%arg12 : memref<!tpu.dma_semaphore, #tpu.memory_space<semaphore_mem>>) src(%dma_wait3A_109 : memref<20480x128xf32, #tpu.memory_space<hbm>>) dst(%arg9 : memref<128x128xf32, #tpu.memory_space<vmem>>)
        %dma_start3A_110 = arith.constant 0 : i32
        %dma_start3A_111 = tpu.memref_slice %arg7[%add3A_103, %dma_start3A_110] : memref<32x128xi32, #tpu.memory_space<vmem>> -> memref<1x128xi32, #tpu.memory_space<vmem>>
        %dma_start3A_112 = tpu.memref_squeeze %dma_start3A_111 : memref<1x128xi32, #tpu.memory_space<vmem>> -> memref<128xi32, #tpu.memory_space<vmem>>
        %dma_start3A_113 = arith.constant 0 : i32
        %dma_start3A_114 = arith.constant 0 : i32
        %dma_start3A_115 = tpu.memref_slice %arg10[%dma_start3A_113, %dma_start3A_114] : memref<10240x128xf32, #tpu.memory_space<vmem_shared>> -> memref<10240x128xf32, #tpu.memory_space<vmem_shared>>
        tpu.enqueue_indirect_dma source(%arg9 : memref<128x128xf32, #tpu.memory_space<vmem>>) target(%dma_start3A_115 : memref<10240x128xf32, #tpu.memory_space<vmem_shared>>) offsets(%dma_start3A_112 : memref<128xi32, #tpu.memory_space<vmem>>) semaphore(%arg14 : memref<!tpu.dma_semaphore, #tpu.memory_space<semaphore_mem>>) {add = true}
        %lt3A_116 = arith.constant 15 : i32
        %lt3A_117 = arith.cmpi slt, %add3A_79, %lt3A_116 : i32
        %convert_element_type3A_118 = arith.extui %lt3A_117 : i1 to i32
        %cond3A_119 = arith.constant 0 : i32
        %cond3A_120 = arith.cmpi ne, %convert_element_type3A_118, %cond3A_119 : i32
        scf.if %cond3A_120 {
          %dma_wait3A_121 = arith.constant 0 : i32
          %dma_wait3A_122 = tpu.memref_slice %arg7[%add3A_103, %dma_wait3A_121] : memref<32x128xi32, #tpu.memory_space<vmem>> -> memref<1x128xi32, #tpu.memory_space<vmem>>
          %dma_wait3A_123 = tpu.memref_squeeze %dma_wait3A_122 : memref<1x128xi32, #tpu.memory_space<vmem>> -> memref<128xi32, #tpu.memory_space<vmem>>
          %dma_wait3A_124 = arith.constant 0 : i32
          %dma_wait3A_125 = arith.constant 0 : i32
          %dma_wait3A_126 = tpu.memref_slice %arg10[%dma_wait3A_124, %dma_wait3A_125] : memref<10240x128xf32, #tpu.memory_space<vmem_shared>> -> memref<10240x128xf32, #tpu.memory_space<vmem_shared>>
          tpu.wait_indirect_dma semaphore(%arg14 : memref<!tpu.dma_semaphore, #tpu.memory_space<semaphore_mem>>) src(%arg9 : memref<128x128xf32, #tpu.memory_space<vmem>>) dst(%dma_wait3A_126 : memref<10240x128xf32, #tpu.memory_space<vmem_shared>>)
          %add3A_127 = arith.constant 2 : i32
          %add3A_128 = arith.addi %add3A_103, %add3A_127 : i32
          %dma_start3A_129 = arith.constant 0 : i32
          %dma_start3A_130 = tpu.memref_slice %arg6[%add3A_128, %dma_start3A_129] : memref<32x128xi32, #tpu.memory_space<vmem>> -> memref<1x128xi32, #tpu.memory_space<vmem>>
          %dma_start3A_131 = tpu.memref_squeeze %dma_start3A_130 : memref<1x128xi32, #tpu.memory_space<vmem>> -> memref<128xi32, #tpu.memory_space<vmem>>
          %dma_start3A_132 = arith.constant 0 : i32
          %dma_start3A_133 = arith.constant 0 : i32
          %dma_start3A_134 = tpu.memref_slice %arg2[%dma_start3A_132, %dma_start3A_133] : memref<20480x128xf32, #tpu.memory_space<hbm>> -> memref<20480x128xf32, #tpu.memory_space<hbm>>
          tpu.enqueue_indirect_dma source(%dma_start3A_134 : memref<20480x128xf32, #tpu.memory_space<hbm>>) target(%arg9 : memref<128x128xf32, #tpu.memory_space<vmem>>) offsets(%dma_start3A_131 : memref<128xi32, #tpu.memory_space<vmem>>) semaphore(%arg12 : memref<!tpu.dma_semaphore, #tpu.memory_space<semaphore_mem>>)
        } else {
        }
      }
      %scan3A_61 = arith.constant 16 : i32
      %dma_wait3A = arith.constant 30 : i32
      %dma_wait3A_62 = arith.constant 0 : i32
      %dma_wait3A_63 = tpu.memref_slice %arg7[%dma_wait3A, %dma_wait3A_62] : memref<32x128xi32, #tpu.memory_space<vmem>> -> memref<1x128xi32, #tpu.memory_space<vmem>>
      %dma_wait3A_64 = tpu.memref_squeeze %dma_wait3A_63 : memref<1x128xi32, #tpu.memory_space<vmem>> -> memref<128xi32, #tpu.memory_space<vmem>>
      %dma_wait3A_65 = arith.constant 0 : i32
      %dma_wait3A_66 = arith.constant 0 : i32
      %dma_wait3A_67 = tpu.memref_slice %arg10[%dma_wait3A_65, %dma_wait3A_66] : memref<10240x128xf32, #tpu.memory_space<vmem_shared>> -> memref<10240x128xf32, #tpu.memory_space<vmem_shared>>
      tpu.wait_indirect_dma semaphore(%arg13 : memref<!tpu.dma_semaphore, #tpu.memory_space<semaphore_mem>>) src(%arg8 : memref<128x128xf32, #tpu.memory_space<vmem>>) dst(%dma_wait3A_67 : memref<10240x128xf32, #tpu.memory_space<vmem_shared>>)
      %dma_wait3A_68 = arith.constant 31 : i32
      %dma_wait3A_69 = arith.constant 0 : i32
      %dma_wait3A_70 = tpu.memref_slice %arg7[%dma_wait3A_68, %dma_wait3A_69] : memref<32x128xi32, #tpu.memory_space<vmem>> -> memref<1x128xi32, #tpu.memory_space<vmem>>
      %dma_wait3A_71 = tpu.memref_squeeze %dma_wait3A_70 : memref<1x128xi32, #tpu.memory_space<vmem>> -> memref<128xi32, #tpu.memory_space<vmem>>
      %dma_wait3A_72 = arith.constant 0 : i32
      %dma_wait3A_73 = arith.constant 0 : i32
      %dma_wait3A_74 = tpu.memref_slice %arg10[%dma_wait3A_72, %dma_wait3A_73] : memref<10240x128xf32, #tpu.memory_space<vmem_shared>> -> memref<10240x128xf32, #tpu.memory_space<vmem_shared>>
      tpu.wait_indirect_dma semaphore(%arg14 : memref<!tpu.dma_semaphore, #tpu.memory_space<semaphore_mem>>) src(%arg9 : memref<128x128xf32, #tpu.memory_space<vmem>>) dst(%dma_wait3A_74 : memref<10240x128xf32, #tpu.memory_space<vmem_shared>>)
    } else {
    }
    %barrier3A_38 = arith.constant 0 : index
    tpu.barrier barrier_id(%barrier3A_38)
    %mul3A_39 = arith.constant 640 : i32
    %mul3A_40 = arith.muli %arg1, %mul3A_39 : i32
    %mul3A_41 = arith.constant 640 : i32
    %mul3A_42 = arith.muli %arg1, %mul3A_41 : i32
    "tpu.region"() ({
      %run_scoped3A = tpu.sem_alloc : memref<!tpu.dma_semaphore, #tpu.memory_space<semaphore_mem>>
      %dma_start3A = arith.constant 0 : i32
      %dma_start3A_43 = tpu.memref_slice %arg5[%arg0, %mul3A_42, %dma_start3A] : memref<2x10240x128xf32, #tpu.memory_space<hbm>> -> memref<1x640x128xf32, #tpu.memory_space<hbm>>
      %dma_start3A_44 = tpu.memref_squeeze %dma_start3A_43 : memref<1x640x128xf32, #tpu.memory_space<hbm>> -> memref<640x128xf32, #tpu.memory_space<hbm>>
      %dma_start3A_45 = arith.constant 0 : i32
      %dma_start3A_46 = tpu.memref_slice %arg10[%mul3A_40, %dma_start3A_45] : memref<10240x128xf32, #tpu.memory_space<vmem_shared>> -> memref<640x128xf32, #tpu.memory_space<vmem_shared>>
      tpu.enqueue_dma source(%dma_start3A_46 : memref<640x128xf32, #tpu.memory_space<vmem_shared>>) target(%dma_start3A_44 : memref<640x128xf32, #tpu.memory_space<hbm>>) target_semaphore(%run_scoped3A : memref<!tpu.dma_semaphore, #tpu.memory_space<semaphore_mem>>)
      %dma_wait3A = arith.constant 0 : i32
      %dma_wait3A_47 = tpu.memref_slice %arg5[%arg0, %mul3A_42, %dma_wait3A] : memref<2x10240x128xf32, #tpu.memory_space<hbm>> -> memref<1x640x128xf32, #tpu.memory_space<hbm>>
      %dma_wait3A_48 = tpu.memref_squeeze %dma_wait3A_47 : memref<1x640x128xf32, #tpu.memory_space<hbm>> -> memref<640x128xf32, #tpu.memory_space<hbm>>
      %dma_wait3A_49 = arith.constant 0 : i32
      %dma_wait3A_50 = tpu.memref_slice %arg10[%mul3A_40, %dma_wait3A_49] : memref<10240x128xf32, #tpu.memory_space<vmem_shared>> -> memref<640x128xf32, #tpu.memory_space<vmem_shared>>
      tpu.wait_dma2 semaphore(%run_scoped3A : memref<!tpu.dma_semaphore, #tpu.memory_space<semaphore_mem>>) src(%dma_wait3A_50 : memref<640x128xf32, #tpu.memory_space<vmem_shared>>) dst(%dma_wait3A_48 : memref<640x128xf32, #tpu.memory_space<hbm>>)
      tpu.yield
    }) : () -> ()
    return
  }
}

module attributes {stable_mosaic.version = 14 : i64} {
  func.func @_mm_body(%arg0: memref<10240x128xf32, #tpu.memory_space<vmem>>, %arg1: memref<128x128xf32, #tpu.memory_space<vmem>>, %arg2: memref<10240x1xf32, #tpu.memory_space<vmem>>, %arg3: memref<10240x1xf32, #tpu.memory_space<vmem>>, %arg4: memref<20480x128xf32, #tpu.memory_space<vmem>>) attributes {dimension_semantics = [], scalar_prefetch = 0 : i64, scratch_operands = 0 : i64, tpu.core_type = #tpu.core_type<tc>} {
    %get3A = arith.constant 0 : index
    %get3A_0 = arith.constant 0 : index
    %get3A_1 = vector.load %arg2[%get3A, %get3A_0] : memref<10240x1xf32, #tpu.memory_space<vmem>>, vector<10240x1xf32>
    %get3A_2 = arith.constant 0 : index
    %get3A_3 = arith.constant 0 : index
    %get3A_4 = vector.load %arg3[%get3A_2, %get3A_3] : memref<10240x1xf32, #tpu.memory_space<vmem>>, vector<10240x1xf32>
    %add3A = arith.addf %get3A_1, %get3A_4 : vector<10240x1xf32>
    %add3A_5 = arith.constant 1.000000e+00 : f32
    %add3A_6 = vector.broadcast %add3A_5 : f32 to vector<10240x1xf32>
    %add3A_7 = arith.addf %add3A, %add3A_6 : vector<10240x1xf32>
    %rsqrt3A = math.rsqrt %add3A_7 : vector<10240x1xf32>
    %get3A_8 = arith.constant 0 : index
    %get3A_9 = arith.constant 0 : index
    %get3A_10 = vector.load %arg0[%get3A_8, %get3A_9] : memref<10240x128xf32, #tpu.memory_space<vmem>>, vector<10240x128xf32>
    %get3A_11 = arith.constant 0 : index
    %get3A_12 = arith.constant 0 : index
    %get3A_13 = vector.load %arg1[%get3A_11, %get3A_12] : memref<128x128xf32, #tpu.memory_space<vmem>>, vector<128x128xf32>
    %dot_general3A = arith.constant dense<0.000000e+00> : vector<10240x128xf32>
    %dot_general3A_14 = tpu.matmul %get3A_10, %get3A_13, %dot_general3A {dimension_numbers = #tpu.dot_dimension_numbers<[1], [0], [0], [1], [0, 0, 1, 1], [], []>, transpose_lhs_hint = false} : vector<10240x128xf32>, vector<128x128xf32>, vector<10240x128xf32> -> vector<10240x128xf32>
    %mul3A = vector.broadcast %rsqrt3A : vector<10240x1xf32> to vector<10240x128xf32>
    %mul3A_15 = arith.mulf %mul3A, %dot_general3A_14 : vector<10240x128xf32>
    %swap3A = arith.constant 0 : index
    %swap3A_16 = arith.constant 0 : index
    %swap3A_17 = vector.load %arg4[%swap3A, %swap3A_16] : memref<20480x128xf32, #tpu.memory_space<vmem>>, vector<10240x128xf32>
    tpu.vector_store %arg4[%swap3A, %swap3A_16], %mul3A_15 {strides = array<i32>} : memref<20480x128xf32, #tpu.memory_space<vmem>>, vector<10240x128xf32>,
    %swap3A_18 = arith.constant 10240 : index
    %swap3A_19 = arith.constant 0 : index
    %swap3A_20 = vector.load %arg4[%swap3A_18, %swap3A_19] : memref<20480x128xf32, #tpu.memory_space<vmem>>, vector<10240x128xf32>
    tpu.vector_store %arg4[%swap3A_18, %swap3A_19], %mul3A_15 {strides = array<i32>} : memref<20480x128xf32, #tpu.memory_space<vmem>>, vector<10240x128xf32>,
    return
  }
}

module attributes {stable_mosaic.version = 14 : i64} {
  func.func @_fin_body(%arg0: memref<10000x128xf32, #tpu.memory_space<vmem>>, %arg1: memref<10000x128xf32, #tpu.memory_space<vmem>>, %arg2: memref<10000x1xf32, #tpu.memory_space<vmem>>, %arg3: memref<10000x1xf32, #tpu.memory_space<vmem>>, %arg4: memref<1x128xf32, #tpu.memory_space<vmem>>, %arg5: memref<10000x128xf32, #tpu.memory_space<vmem>>) attributes {dimension_semantics = [], scalar_prefetch = 0 : i64, scratch_operands = 0 : i64, tpu.core_type = #tpu.core_type<tc>} {
    %get3A = arith.constant 0 : index
    %get3A_0 = arith.constant 0 : index
    %get3A_1 = vector.load %arg2[%get3A, %get3A_0] : memref<10000x1xf32, #tpu.memory_space<vmem>>, vector<10000x1xf32>
    %get3A_2 = arith.constant 0 : index
    %get3A_3 = arith.constant 0 : index
    %get3A_4 = vector.load %arg3[%get3A_2, %get3A_3] : memref<10000x1xf32, #tpu.memory_space<vmem>>, vector<10000x1xf32>
    %add3A = arith.addf %get3A_1, %get3A_4 : vector<10000x1xf32>
    %add3A_5 = arith.constant 1.000000e+00 : f32
    %add3A_6 = vector.broadcast %add3A_5 : f32 to vector<10000x1xf32>
    %add3A_7 = arith.addf %add3A, %add3A_6 : vector<10000x1xf32>
    %rsqrt3A = math.rsqrt %add3A_7 : vector<10000x1xf32>
    %get3A_8 = arith.constant 0 : index
    %get3A_9 = arith.constant 0 : index
    %get3A_10 = vector.load %arg0[%get3A_8, %get3A_9] : memref<10000x128xf32, #tpu.memory_space<vmem>>, vector<10000x128xf32>
    %get3A_11 = arith.constant 0 : index
    %get3A_12 = arith.constant 0 : index
    %get3A_13 = vector.load %arg1[%get3A_11, %get3A_12] : memref<10000x128xf32, #tpu.memory_space<vmem>>, vector<10000x128xf32>
    %add3A_14 = arith.addf %get3A_10, %get3A_13 : vector<10000x128xf32>
    %mul3A = vector.broadcast %rsqrt3A : vector<10000x1xf32> to vector<10000x128xf32>
    %mul3A_15 = arith.mulf %mul3A, %add3A_14 : vector<10000x128xf32>
    %get3A_16 = arith.constant 0 : index
    %get3A_17 = arith.constant 0 : index
    %get3A_18 = vector.load %arg4[%get3A_16, %get3A_17] : memref<1x128xf32, #tpu.memory_space<vmem>>, vector<1x128xf32>
    %add3A_19 = vector.broadcast %get3A_18 : vector<1x128xf32> to vector<10000x128xf32>
    %add3A_20 = arith.addf %mul3A_15, %add3A_19 : vector<10000x128xf32>
    %swap3A = arith.constant 0 : index
    %swap3A_21 = arith.constant 0 : index
    %swap3A_22 = vector.load %arg5[%swap3A, %swap3A_21] : memref<10000x128xf32, #tpu.memory_space<vmem>>, vector<10000x128xf32>
    tpu.vector_store %arg5[%swap3A, %swap3A_21], %add3A_20 {strides = array<i32>} : memref<10000x128xf32, #tpu.memory_space<vmem>>, vector<10000x128xf32>,
    return
  }
}

</mosaic_0001>

<sc_bundles>
// kernel: kernel.6.cloned.1.call-start
scs
__scs_entry_jumppad:
0x0: {  	(pc) =	sbr.rel $0x88, $3  }
0x1: {  	(tag) =	ssettag $0x0;
	lr =	simm.s32 $0x1  }
0x2: {  	[smem:$0x3F9D] =	sst lr;
	_ =	strace $0xD0000000  }
0x3: {  	_ = 	snop  }
0x4: {  	_ = 	snop  }
0x5: {  	_ = 	snop  }
0x6: {  	_ = 	snop  }
0x7: {  	_ = 	snop  }
__scs_overlays_trampoline_lowered:
0x8: {  	[smem:$0x3FAC] =	sst s0  }
0x9: {  	[smem:$0x3FAD] =	sst s1  }
0xa: {  	[smem:$0x3FAE] =	sst s2  }
0xb: {  	[smem:$0x3FAF] =	sst s3  }
0xc: {  	[smem:$0x3FB0] =	sst s4  }
0xd: {  	[smem:$0x3FB1] =	sst s5  }
0xe: {  	[smem:$0x3FB2] =	sst s6  }
0xf: {  	[smem:$0x3FB3] =	sst s7  }
0x10: {  	[smem:$0x3FB4] =	sst s8  }
0x11: {  	[smem:$0x3FB5] =	sst s9;
	s0 =	simm.s32 @!p0 $0x0  }
0x12: {  	s1 =	sld [smem:$0x3F9B];
	s0 =	simm.s32 @p0 $0x1  }
0x13: {  	[smem:$0x3FB6] =	sst s0;
	s0 =	simm.s32 @!p1 $0x0  }
0x14: {  	s2 =	sld [smem:$0x3F9A];
	s0 =	simm.s32 @p1 $0x1  }
0x15: {  	[smem:$0x3FB7] =	sst s0;
	s0 =	simm.s32 @!p2 $0x0  }
0x16: {  	s3 =	sld [smem:$0x3FDB];
	s0 =	simm.s32 @p2 $0x1  }
0x17: {  	s4 =	simm.s32 $0x1BF5;
	[smem:$0x3FB9] =	sst s0  }
0x18: {  	s0 =	sld [smem:$0x3F9C];
	_ =	swait.ge [sflag:s4], $0x0  }
0x19: {  	s7 =	sld [smem:$0x3F9D]  }
0x1a: {  	s8 =	sadd.s32 $0xFFFFE003, lr  }
0x1b: {  	s9 =	sadd.s32 $0xFFFFFEF7, lr;
	s5 =	simm.s32 $0xFFFFFFFF;
	p2 =	slt.u32 s8, $0xFFFFF086  }
0x1c: {  	p1 =	slt.u32 s9, $0xF7A;
	s5 =	simm.s32 @!p2 $0x0  }
0x1d: {  	s5 =	simm.s32 @p1 $0x1;
	p0 =	seq.s32 s7, s2  }
0x1e: {  	s7 =	smul.u32 @!p0 $0xF7A, s2;
	p2 =	seq.s32 @!p0 s5, $0x0  }
0x1f: {  	s9 =	smul.u32 $0xF7A, s1;
	s8 =	simm.s32 @!p0 $0x1BF5;
	p2 =	por !p2, p0  }
0x20: {  	[sflag:s8] =	ssyncset.s32 @!p0 $0xFFFFF086;
	s6 =	sadd.s32 @!p0 s3, s7;
	s7 =	simm.s32 @!p0 $0x108  }
0x21: {  	s3 =	sadd.s32 s3, s9;
	s6 =	sadd.s32 @!p0 $0x88, s6;
	s7 =	simm.s32 @p2 $0x1082  }
0x22: {  	[simem:s7], [sflag:s8] =	dma.local @!p0 [hbm:s6], $0xF7A  }
0x23: {  	s9 =	sor.u32 $0xD0000000, s2;
	s6 =	simm.s32 $0x108;
	_ =	swait.ge @!p0 [sflag:s8], $0x0  }
0x24: {  	s3 =	sadd.s32 $0x88, s3;
	s6 =	simm.s32 @!p1 $0x1082;
	[sflag:s4] =	ssyncset.s32 $0xFFFFF086  }
0x25: {  	[simem:s6], [sflag:s4] =	dma.local [hbm:s3], $0xF7A  }
0x26: {  	[smem:$0x3F9D] =	sst s1;
	(tag) =	ssettag s2;
	_ =	strace s9  }
0x27: {  	s1 =	sld [smem:$0x3FAD]  }
0x28: {  	s2 =	sld [smem:$0x3FAE]  }
0x29: {  	s4 =	sld [smem:$0x3FB0]  }
0x2a: {  	p0 =	seq.s32 s5, $0x0;
	s5 =	sld [smem:$0x3FB1]  }
0x2b: {  	s6 =	sld [smem:$0x3FB2]  }
0x2c: {  	s7 =	sld [smem:$0x3FB3]  }
0x2d: {  	s3 =	simm.s32 $0x108;
	s8 =	sld [smem:$0x3FB4]  }
0x2e: {  	s3 =	simm.s32 @!p0 $0x1082;
	s9 =	sld [smem:$0x3FB5]  }
0x2f: {  	lr =	sadd.s32 s0, s3;
	s0 =	sld [smem:$0x3FAC]  }
0x30: {  	s3 =	sld [smem:$0x3FAF]  }
0x31: {  	[smem:$0x3FB8] =	sst s10  }
0x32: {  	s10 =	sld [smem:$0x3FB6];
	_ =	sdelay $0x3  }
0x33: {  	p0 =	seq.s32 s10, $0x1;
	s10 =	sld [smem:$0x3FB8];
	_ =	sdelay $0x3  }
0x34: {  	[smem:$0x3FB8] =	sst s10  }
0x35: {  	s10 =	sld [smem:$0x3FB7];
	_ =	sdelay $0x3  }
0x36: {  	p1 =	seq.s32 s10, $0x1;
	s10 =	sld [smem:$0x3FB8];
	_ =	sdelay $0x3  }
0x37: {  	[smem:$0x3FB8] =	sst s10  }
0x38: {  	s10 =	sld [smem:$0x3FB9]  }
0x39: {  	_ = 	snop;
	(pc) =	sbr.ind lr, $3  }
0x3a: {  	_ = 	snop  }
0x3b: {  	_ = 	snop  }
0x3c: {  	p2 =	seq.s32 s10, $0x1;
	s10 =	sld [smem:$0x3FB8]  }
0x3d: {  	_ =	shalt  }
0x3e: {  	_ =	shalt  }
0x3f: {  	_ =	shalt  }
0x40: {  	_ =	shalt  }
0x41: {  	_ =	shalt  }
0x42: {  	_ =	shalt  }
0x43: {  	_ =	shalt  }
0x44: {  	_ =	shalt  }
0x45: {  	_ =	shalt  }
0x46: {  	_ =	shalt  }
0x47: {  	_ =	shalt  }
0x48: {  	_ =	shalt  }
0x49: {  	_ =	shalt  }
0x4a: {  	_ =	shalt  }
0x4b: {  	_ =	shalt  }
0x4c: {  	_ =	shalt  }
0x4d: {  	_ =	shalt  }
0x4e: {  	_ =	shalt  }
0x4f: {  	_ =	shalt  }
0x50: {  	_ =	shalt  }
0x51: {  	_ =	shalt  }
0x52: {  	_ =	shalt  }
0x53: {  	_ =	shalt  }
0x54: {  	_ =	shalt  }
0x55: {  	_ =	shalt  }
0x56: {  	_ =	shalt  }
0x57: {  	_ =	shalt  }
0x58: {  	_ =	shalt  }
0x59: {  	_ =	shalt  }
0x5a: {  	_ =	shalt  }
0x5b: {  	_ =	shalt  }
0x5c: {  	_ =	shalt  }
0x5d: {  	_ =	shalt  }
0x5e: {  	_ =	shalt  }
0x5f: {  	_ =	shalt  }
0x60: {  	_ =	shalt  }
0x61: {  	_ =	shalt  }
0x62: {  	_ =	shalt  }
0x63: {  	_ =	shalt  }
0x64: {  	_ =	shalt  }
0x65: {  	_ =	shalt  }
0x66: {  	_ =	shalt  }
0x67: {  	_ =	shalt  }
0x68: {  	_ =	shalt  }
0x69: {  	_ =	shalt  }
0x6a: {  	_ =	shalt  }
0x6b: {  	_ =	shalt  }
0x6c: {  	_ =	shalt  }
0x6d: {  	_ =	shalt  }
0x6e: {  	_ =	shalt  }
0x6f: {  	_ =	shalt  }
0x70: {  	_ =	shalt  }
0x71: {  	_ =	shalt  }
0x72: {  	_ =	shalt  }
0x73: {  	_ =	shalt  }
0x74: {  	_ =	shalt  }
0x75: {  	_ =	shalt  }
0x76: {  	_ =	shalt  }
0x77: {  	_ =	shalt  }
0x78: {  	_ =	shalt  }
0x79: {  	_ =	shalt  }
0x7a: {  	_ =	shalt  }
0x7b: {  	_ =	shalt  }
0x7c: {  	_ =	shalt  }
0x7d: {  	_ =	shalt  }
0x7e: {  	_ =	shalt  }
0x7f: {  	_ =	shalt  }
0x80: {  	_ =	shalt  }
0x81: {  	_ =	shalt  }
0x82: {  	_ =	shalt  }
0x83: {  	_ =	shalt  }
0x84: {  	_ =	shalt  }
0x85: {  	_ =	shalt  }
0x86: {  	_ =	shalt  }
0x87: {  	_ =	shalt  }
.Lfunc_end0:
.L_simem_size_0:
called_computation_lowered:
.L_overlay_start_0:
0x88: {  	s2 =	sld [smem:$0x3FD9]  }
0x89: {  	s3 =	sld [smem:$0x3FFE];
	_ =	sdelay $0x1  }
0x8a: {  	s1 =	srdreg.scid  }
0x8b: {  	s0 =	sand.u32 $0x1, s1  }
0x8c: {  	s17 =	sshll.u32 s0, $0xA;
	s2 =	sadd.s32 s3, s2  }
0x8d: {  	s2 =	sadd.s32 s2, s17  }
0x8e: {  	[smem:$0x3FC4] =	sst s2  }
0x8f: {  	_ = 	snop  }
0x90: {  	s2 =	sld [smem:$0x3FD0];
	(tm) =	ssettm $0x1  }
0x91: {  	s18 =	sld [smem:$0x3FFB];
	_ =	sdelay $0x3  }
0x92: {  	_ =	strace s18  }
0x93: {  	s3 =	sld [smem:$0x3FFC];
	_ =	sdelay $0x3  }
0x94: {  	_ =	strace s3  }
0x95: {  	s3 =	sld [smem:$0x3FFD];
	_ =	sdelay $0x3  }
0x96: {  	_ =	strace s3  }
0x97: {  	_ =	strace $0x8FFFFFFF  }
0x98: {  	s19 =	sld [smem:$0x3FDB];
	_ =	sdelay $0x1  }
0x99: {  	s4 =	simm.s32 $_scs_section_size  }
0x9a: {  	s5 =	simm.s32 $_size__tile_overlayer_lowered;
	s6 =	simm.s32 $_tile_overlayer_lowered  }
0x9b: {  	s22 =	simm.s32 $0x1BFF;
	s21 =	sshll.u32 s6, $0x1;
	s3 =	sadd.s32 s4, s19  }
0x9c: {  	s7 =	simm.s32 $0x0;
	s20 =	sshll.u32 s5, $0x1;
	s5 =	sadd.s32 s21, s3  }
0x9d: {  	[timem:s7], [sflag:s22] =	dma.local [hbm:s5], s20  }
0x9e: {  	_ =	swait.ge [sflag:s22], s20  }
0x9f: {  	s4 =	ssub.s32 $0x0, s20;
	[sflag:s22] =	ssyncset.done $0x0  }
0xa0: {  	[sflag:s22] =	ssyncadd.s32 s4;
	_ =	sdelay $0x1  }
0xa1: {  	s23 =	simm.s32 $0x1B8B  }
0xa2: {  	_ =	swait.ge [sflag:s23], $0x1  }
0xa3: {  	[sflag:s23] =	ssyncset.done $0x0  }
0xa4: {  	s25 =	simm.s32 $0x1B8E;
	s24 =	sld [smem:$0x3FFE];
	[sflag:s23] =	ssyncadd.s32 $0xFFFFFFFF  }
0xa5: {  	s26 =	simm.s32 $execute0_lowered;
	[smem:$0x3FD2] =	sst s25  }
0xa6: {  	s5 =	sshll.u32 s26, $0x1;
	_ =	strace $0x80000046;
	[dreg:$0x1] =	wrdreg $0xFFFFFFFF  }
0xa7: {  	s28 =	simm.s32 $_size_execute0_lowered;
	s3 =	sadd.s32 s3, s5;
	[dreg:$0x0] =	wrdreg $0x0  }
0xa8: {  	s5 =	sshll.u32 s28, $0x1;
	[dreg:$0x2] =	wrdreg s3  }
0xa9: {  	[dreg:$0x3] =	wrdreg s5  }
0xaa: {  	[dreg:$0x4] =	wrdreg $0xC0  }
0xab: {  	_ =	task [dreg:s7], $0x5FFFF  }
0xac: {  	[dreg:$0x1] =	wrdreg $0xFFFFFFFF  }
0xad: {  	[dreg:$0x0] =	wrdreg $0x60  }
0xae: {  	[dreg:$0x2] =	wrdreg s2  }
0xaf: {  	[dreg:$0x3] =	wrdreg s24  }
0xb0: {  	[dreg:$0x4] =	wrdreg $0x2B000  }
0xb1: {  	[dreg:$0x5] =	wrdreg $0x9  }
0xb2: {  	_ =	task.clear_ibuf [dreg:s7], $0x6FFFF;
	_ =	strace $0x90000046  }
0xb3: {  	s29 =	simm.s32 $0x9;
	_ =	strace $0x80000048  }
0xb4: {  	_ =	swait.ge [sflag:s29], $0x1  }
0xb5: {  	[sflag:s29] =	ssyncadd.s32 $0xFFFFFFFF  }
0xb6: {  	_ =	strace $0x90000048  }
0xb7: {  	_ =	sfence  }
0xb8: {  	s30 =	sld [smem:$0x0];
	_ =	sdelay $0x2  }
0xb9: {  	s31 =	sshll.u32 s1, $0xD;
	s1 =	sshrl.u32 s1, $0x2  }
0xba: {  	s3 =	sand.u32 $0x4000, s31;
	s1 =	sadd.s32 s1, s30  }
0xbb: {  	s0 =	sor.u32 s3, s0;
	s1 =	sshll.u32 s1, $0x11  }
0xbc: {  	s0 =	sor.u32 s1, s0  }
0xbd: {  	s0 =	sadd.s32 $0x8F2B, s0  }
0xbe: {  	[sflag:s0] =	ssyncadd.remote.s32 $0x1  }
0xbf: {  	_ =	sfence.sel $0xFFFF  }
0xc0: {  	[dreg:$0x0] =	wrdreg $0xFFFFFFFF;
	(pc) =	sbr.abs _section_cstart, $3  }
0xc1: {  	[dreg:$0x1] =	wrdreg $0xFFFFFFFF  }
0xc2: {  	_ =	task.clear_ibuf [dreg:s7], $0x2FFFF;
	_ =	strace $0x9FFFFFFF  }
0xc3: {  	(tm) =	ssettm $0x7FFFFFFF  }
tec
execute0_lowered:
.L_overlay_start_1:
0x0: {  	(tag) =	ssettag $0x1  }
0x1: {  	s5 =	rddreg [dreg:$0x0]  }
0x2: {  	s4 =	rddreg [dreg:$0x1]  }
0x3: {  	s2 =	rddreg [dreg:$0x2]  }
0x4: {  	s0 =	rddreg [dreg:$0x3]  }
0x5: {  	s3 =	simm.s32 $0x0;
	s6 =	srdreg.scid;
	s1 =	stileid.u32  }
0x6: {  	s11 =	simm.s32 $0x2800;
	s14 =	simm.s32 $0x20;
	s15 =	simm.s32 $0x10  }
0x7: {  	s16 =	simm.s32 $0x0;
	[smem:$0x7FF] =	sst s3;
	s7 =	smul.u32 $0x500, s1  }
0x8: {  	s6 =	sand.u32 $0x1, s6;
	s30 =	smul.u32 $0xA00, s1;
	s12 =	sshll.u32 s1, $0x6  }
0x9: {  	_ =	strace $0x80000047;
	s8 =	sshll.u32 s6, $0x7;
	s9 =	sshll.u32 s6, $0x4  }
0xa: {  	s6 =	ssub.s32 $0x2, s6;
	s12 =	sor.u32 $0x1C01, s12;
	s7 =	sor.u32 s8, s7  }
0xb: {  	s29 =	sor.u32 s1, s9;
	s31 =	sshrl.u32 s6, $0x1;
	s9 =	sshrl.u32 s30, $0x2  }
0xc: {  	s7 =	sshrl.u32 s7, $0x3;
	s8 =	smul.u32 $0x500, s29;
	s10 =	ssub.s32 s6, s31  }
0xd: {  	s7 =	sadd.s32 s7, s4;
	s4 =	sadd.s32 s9, s2;
	s9 =	simm.s32 $0x1  }
0xe: {  	s5 =	sadd.s32 s5, s8;
	s6 =	sadd.s32 $0xE00, s7;
	s7 =	smax.u32 s10, $0x1  }
0xf: {  	v0 =	vimm.f32 $0.0e+00;
	v1 =	vimm.f32 $1.000000000e+00;
	s8 =	simm.s32 $0x2880;
	s10 =	simm.s32 $0x80;
	s13 =	sshrl.u32 s4, $0x3  }
.LBB2_1:
0x10: {  	[tilespmem:$0x2880] =	vst v0  }
0x11: {  	[tilespmem:$0x2890] =	vst v0  }
0x12: {  	[tilespmem:$0x28A0] =	vst v0  }
0x13: {  	[tilespmem:$0x28B0] =	vst v0  }
0x14: {  	[tilespmem:$0x28C0] =	vst v0  }
0x15: {  	[tilespmem:$0x28D0] =	vst v0  }
0x16: {  	[tilespmem:$0x28E0] =	vst v0  }
0x17: {  	[tilespmem:$0x28F0] =	vst v0  }
0x18: {  	[tilespmem:$0x2900] =	vst v0  }
0x19: {  	[tilespmem:$0x2910] =	vst v0  }
0x1a: {  	[tilespmem:$0x2920] =	vst v0  }
0x1b: {  	[tilespmem:$0x2930] =	vst v0  }
0x1c: {  	[tilespmem:$0x2940] =	vst v0  }
0x1d: {  	[tilespmem:$0x2950] =	vst v0  }
0x1e: {  	[tilespmem:$0x2960] =	vst v0  }
0x1f: {  	[tilespmem:$0x2970] =	vst v0  }
0x20: {  	[tilespmem:$0x2980] =	vst v0  }
0x21: {  	[tilespmem:$0x2990] =	vst v0  }
0x22: {  	[tilespmem:$0x29A0] =	vst v0  }
0x23: {  	[tilespmem:$0x29B0] =	vst v0  }
0x24: {  	[tilespmem:$0x29C0] =	vst v0  }
0x25: {  	[tilespmem:$0x29D0] =	vst v0  }
0x26: {  	[tilespmem:$0x29E0] =	vst v0  }
0x27: {  	[tilespmem:$0x29F0] =	vst v0  }
0x28: {  	[tilespmem:$0x2A00] =	vst v0  }
0x29: {  	[tilespmem:$0x2A10] =	vst v0  }
0x2a: {  	[tilespmem:$0x2A20] =	vst v0  }
0x2b: {  	[tilespmem:$0x2A30] =	vst v0  }
0x2c: {  	[tilespmem:$0x2A40] =	vst v0  }
0x2d: {  	[tilespmem:$0x2A50] =	vst v0  }
0x2e: {  	[tilespmem:$0x2A60] =	vst v0  }
0x2f: {  	[tilespmem:$0x2A70] =	vst v0  }
0x30: {  	[tilespmem:$0x2A80] =	vst v0  }
0x31: {  	[tilespmem:$0x2A90] =	vst v0  }
0x32: {  	[tilespmem:$0x2AA0] =	vst v0  }
0x33: {  	[tilespmem:$0x2AB0] =	vst v0  }
0x34: {  	[tilespmem:$0x2AC0] =	vst v0  }
0x35: {  	[tilespmem:$0x2AD0] =	vst v0  }
0x36: {  	[tilespmem:$0x2AE0] =	vst v0  }
0x37: {  	[tilespmem:$0x2AF0] =	vst v0  }
0x38: {  	[spmem:s4] =	stream.linear.scatter [tilespmem:s8], [sflag:$0x1], $0x280, $0x38;
	[tilespmem:$0x2D80] =	vst v63  }
0x39: {  	_ =	swait.ge [sflag:s9], $0x280  }
0x3a: {  	[sflag:s9] =	ssyncset.done $0x0  }
0x3b: {  	[sflag:s9] =	ssyncadd.s32 $0xFFFFFD80  }
0x3c: {  	[tilespmem:$0x2800] =	vst v1  }
0x3d: {  	[tilespmem:$0x2810] =	vst v1  }
0x3e: {  	[tilespmem:$0x2820] =	vst v1  }
0x3f: {  	[tilespmem:$0x2830] =	vst v1  }
0x40: {  	[tilespmem:$0x2840] =	vst v1  }
0x41: {  	[tilespmem:$0x2850] =	vst v1  }
0x42: {  	[tilespmem:$0x2860] =	vst v1  }
0x43: {  	[tilespmem:$0x2870] =	vst v1  }
0x44: {  	[tilespmem:s3], [sflag:$0x1] =	stream.linear.gather [hbm4b:s5+s3], $0x2800, $0x38;
	[tilespmem:$0x2D80] =	vst v63  }
0x45: {  	_ =	swait.ge [sflag:s9], $0x2800  }
0x46: {  	[sflag:s9] =	ssyncset.done $0x0  }
0x47: {  	[sflag:s9] =	ssyncadd.s32 $0xFFFFD800  }
0x48: {  	s17 =	simm.s32 $0x0;
	[bflag:$0x0] =	sbarrier.arrive $0xFFFF  }
0x49: {  	[spmem:s2] =	stream.indirect.scatter.add.f32 [tilespmem:s11], [sflag:$0x1], $0x1, s17, s10, $0xb8;
	[tilespmem:$0x2D80] =	vst v63  }
0x4a: {  	_ =	swait.ge [sflag:s9], $0x80  }
0x4b: {  	s17 =	simm.s32 $0x200;
	[sflag:s9] =	ssyncset.done $0x0  }
.LBB2_2:
0x4c: {  	s18 =	sshra.s32 s17, $0x2;
	[sflag:s9] =	ssyncadd.s32 $0xFFFFFF80;
	p0 =	sne.s32 s17, $0x9E00  }
0x4d: {  	[spmem:s2] =	stream.indirect.scatter.add.f32 [tilespmem:s11], [sflag:$0x1], $0x1, s18, s10, $0xb8;
	[tilespmem:$0x2D80] =	vst v63  }
.Ltmp0:
0x4e: {  	_ = 	snop;
	(pc) =	sbr.rel @p0 .LBB2_2-.Ltmp0, $4  }
0x4f: {  	_ = 	snop  }
0x50: {  	s17 =	sadd.s32 $0x200, s17  }
0x51: {  	_ =	swait.ge [sflag:s9], $0x80  }
0x52: {  	[sflag:s9] =	ssyncset.done $0x0  }
0x53: {  	s16 =	sadd.s32 $0x1, s16  }
0x54: {  	[sflag:s9] =	ssyncadd.s32 $0xFFFFFF80;
	p0 =	sne.s32 s16, s7  }
.Ltmp1:
0x55: {  	[bflag:$0x0] =	sbarrier.arrive $0xFFFF;
	(pc) =	sbr.rel @p0 .LBB2_1-.Ltmp1, $4  }
0x56: {  	[hbm:s6@s14], [sflag:s12] =	dma.strided [spmem:s13@s15], $0x50, s9, $0x10   }
0x57: {  	_ =	swait.ge [sflag:s9], $0x50  }
0x58: {  	[sflag:s9] =	ssyncset.done $0x0  }
0x59: {  	[sflag:s9] =	ssyncadd.s32 $0xFFFFFFB0  }
0x5a: {  	_ =	sfence.sel $0x180000  }
0x5b: {  	[bflag:$0x0] =	sbarrier.arrive $0xFFFF  }
0x5c: {  	p0 =	sne.s32 s1, $0x0;
	_ =	strace $0x90000047  }
0x5d: {  	s0 =	sadd.s32 @!p0 $0x100000, s0;
	[bflag:$0x2] =	sbarrier.arrive $0xFFFF  }
0x5e: {  	[sflag:s0] =	ssyncadd.tile.s32 @!p0 $0x1;
	_ =	shalt  }
.Lfunc_end2:
_tile_overlayer_lowered:
.L_overlay_start_2:
0x5f: {  	(tag) =	ssettag $0x2  }
0x60: {  	s0 =	rddreg [dreg:$0x0];
	s2 =	stileid.u32  }
0x61: {  	s1 =	rddreg [dreg:$0x1];
	p0 =	sne.s32 s2, $0x0  }
0x62: {  	s3 =	rddreg [dreg:$0x2];
	[bflag:$0x3] =	sbarrier.arrive $0xFFFF;
	s2 =	simm.s32 @!p0 $0x1C01  }
0x63: {  	[timem:s3], [sflag:s2] =	dma.local @!p0 [hbm:s0], s1  }
0x64: {  	s0 =	simm.s32 @!p0 $0x1  }
0x65: {  	_ =	swait.ge @!p0 [sflag:s0], s1  }
0x66: {  	s1 =	ssub.s32 @!p0 $0x0, s1;
	[sflag:s0] =	ssyncset.done @!p0 $0x0  }
0x67: {  	[sflag:s0] =	ssyncadd.s32 @!p0 s1  }
0x68: {  	[bflag:$0x3] =	sbarrier.arrive $0xFFFF  }
0x69: {  	_ =	shalt  }

// kernel: kernel.9.cloned.1.call-start
scs
__scs_entry_jumppad:
0x0: {  	(pc) =	sbr.rel $0x88, $3  }
0x1: {  	(tag) =	ssettag $0x0;
	lr =	simm.s32 $0x1  }
0x2: {  	[smem:$0x3F9D] =	sst lr;
	_ =	strace $0xD0000000  }
0x3: {  	_ = 	snop  }
0x4: {  	_ = 	snop  }
0x5: {  	_ = 	snop  }
0x6: {  	_ = 	snop  }
0x7: {  	_ = 	snop  }
__scs_overlays_trampoline_lowered:
0x8: {  	[smem:$0x3FAC] =	sst s0  }
0x9: {  	[smem:$0x3FAD] =	sst s1  }
0xa: {  	[smem:$0x3FAE] =	sst s2  }
0xb: {  	[smem:$0x3FAF] =	sst s3  }
0xc: {  	[smem:$0x3FB0] =	sst s4  }
0xd: {  	[smem:$0x3FB1] =	sst s5  }
0xe: {  	[smem:$0x3FB2] =	sst s6  }
0xf: {  	[smem:$0x3FB3] =	sst s7  }
0x10: {  	[smem:$0x3FB4] =	sst s8  }
0x11: {  	[smem:$0x3FB5] =	sst s9;
	s0 =	simm.s32 @!p0 $0x0  }
0x12: {  	s1 =	sld [smem:$0x3F9B];
	s0 =	simm.s32 @p0 $0x1  }
0x13: {  	[smem:$0x3FB6] =	sst s0;
	s0 =	simm.s32 @!p1 $0x0  }
0x14: {  	s2 =	sld [smem:$0x3F9A];
	s0 =	simm.s32 @p1 $0x1  }
0x15: {  	[smem:$0x3FB7] =	sst s0;
	s0 =	simm.s32 @!p2 $0x0  }
0x16: {  	s3 =	sld [smem:$0x3FDB];
	s0 =	simm.s32 @p2 $0x1  }
0x17: {  	s4 =	simm.s32 $0x1BF5;
	[smem:$0x3FB9] =	sst s0  }
0x18: {  	s0 =	sld [smem:$0x3F9C];
	_ =	swait.ge [sflag:s4], $0x0  }
0x19: {  	s7 =	sld [smem:$0x3F9D]  }
0x1a: {  	s8 =	sadd.s32 $0xFFFFE003, lr  }
0x1b: {  	s9 =	sadd.s32 $0xFFFFFEF7, lr;
	s5 =	simm.s32 $0xFFFFFFFF;
	p2 =	slt.u32 s8, $0xFFFFF086  }
0x1c: {  	p1 =	slt.u32 s9, $0xF7A;
	s5 =	simm.s32 @!p2 $0x0  }
0x1d: {  	s5 =	simm.s32 @p1 $0x1;
	p0 =	seq.s32 s7, s2  }
0x1e: {  	s7 =	smul.u32 @!p0 $0xF7A, s2;
	p2 =	seq.s32 @!p0 s5, $0x0  }
0x1f: {  	s9 =	smul.u32 $0xF7A, s1;
	s8 =	simm.s32 @!p0 $0x1BF5;
	p2 =	por !p2, p0  }
0x20: {  	[sflag:s8] =	ssyncset.s32 @!p0 $0xFFFFF086;
	s6 =	sadd.s32 @!p0 s3, s7;
	s7 =	simm.s32 @!p0 $0x108  }
0x21: {  	s3 =	sadd.s32 s3, s9;
	s6 =	sadd.s32 @!p0 $0x88, s6;
	s7 =	simm.s32 @p2 $0x1082  }
0x22: {  	[simem:s7], [sflag:s8] =	dma.local @!p0 [hbm:s6], $0xF7A  }
0x23: {  	s9 =	sor.u32 $0xD0000000, s2;
	s6 =	simm.s32 $0x108;
	_ =	swait.ge @!p0 [sflag:s8], $0x0  }
0x24: {  	s3 =	sadd.s32 $0x88, s3;
	s6 =	simm.s32 @!p1 $0x1082;
	[sflag:s4] =	ssyncset.s32 $0xFFFFF086  }
0x25: {  	[simem:s6], [sflag:s4] =	dma.local [hbm:s3], $0xF7A  }
0x26: {  	[smem:$0x3F9D] =	sst s1;
	(tag) =	ssettag s2;
	_ =	strace s9  }
0x27: {  	s1 =	sld [smem:$0x3FAD]  }
0x28: {  	s2 =	sld [smem:$0x3FAE]  }
0x29: {  	s4 =	sld [smem:$0x3FB0]  }
0x2a: {  	p0 =	seq.s32 s5, $0x0;
	s5 =	sld [smem:$0x3FB1]  }
0x2b: {  	s6 =	sld [smem:$0x3FB2]  }
0x2c: {  	s7 =	sld [smem:$0x3FB3]  }
0x2d: {  	s3 =	simm.s32 $0x108;
	s8 =	sld [smem:$0x3FB4]  }
0x2e: {  	s3 =	simm.s32 @!p0 $0x1082;
	s9 =	sld [smem:$0x3FB5]  }
0x2f: {  	lr =	sadd.s32 s0, s3;
	s0 =	sld [smem:$0x3FAC]  }
0x30: {  	s3 =	sld [smem:$0x3FAF]  }
0x31: {  	[smem:$0x3FB8] =	sst s10  }
0x32: {  	s10 =	sld [smem:$0x3FB6];
	_ =	sdelay $0x3  }
0x33: {  	p0 =	seq.s32 s10, $0x1;
	s10 =	sld [smem:$0x3FB8];
	_ =	sdelay $0x3  }
0x34: {  	[smem:$0x3FB8] =	sst s10  }
0x35: {  	s10 =	sld [smem:$0x3FB7];
	_ =	sdelay $0x3  }
0x36: {  	p1 =	seq.s32 s10, $0x1;
	s10 =	sld [smem:$0x3FB8];
	_ =	sdelay $0x3  }
0x37: {  	[smem:$0x3FB8] =	sst s10  }
0x38: {  	s10 =	sld [smem:$0x3FB9]  }
0x39: {  	_ = 	snop;
	(pc) =	sbr.ind lr, $3  }
0x3a: {  	_ = 	snop  }
0x3b: {  	_ = 	snop  }
0x3c: {  	p2 =	seq.s32 s10, $0x1;
	s10 =	sld [smem:$0x3FB8]  }
0x3d: {  	_ =	shalt  }
0x3e: {  	_ =	shalt  }
0x3f: {  	_ =	shalt  }
0x40: {  	_ =	shalt  }
0x41: {  	_ =	shalt  }
0x42: {  	_ =	shalt  }
0x43: {  	_ =	shalt  }
0x44: {  	_ =	shalt  }
0x45: {  	_ =	shalt  }
0x46: {  	_ =	shalt  }
0x47: {  	_ =	shalt  }
0x48: {  	_ =	shalt  }
0x49: {  	_ =	shalt  }
0x4a: {  	_ =	shalt  }
0x4b: {  	_ =	shalt  }
0x4c: {  	_ =	shalt  }
0x4d: {  	_ =	shalt  }
0x4e: {  	_ =	shalt  }
0x4f: {  	_ =	shalt  }
0x50: {  	_ =	shalt  }
0x51: {  	_ =	shalt  }
0x52: {  	_ =	shalt  }
0x53: {  	_ =	shalt  }
0x54: {  	_ =	shalt  }
0x55: {  	_ =	shalt  }
0x56: {  	_ =	shalt  }
0x57: {  	_ =	shalt  }
0x58: {  	_ =	shalt  }
0x59: {  	_ =	shalt  }
0x5a: {  	_ =	shalt  }
0x5b: {  	_ =	shalt  }
0x5c: {  	_ =	shalt  }
0x5d: {  	_ =	shalt  }
0x5e: {  	_ =	shalt  }
0x5f: {  	_ =	shalt  }
0x60: {  	_ =	shalt  }
0x61: {  	_ =	shalt  }
0x62: {  	_ =	shalt  }
0x63: {  	_ =	shalt  }
0x64: {  	_ =	shalt  }
0x65: {  	_ =	shalt  }
0x66: {  	_ =	shalt  }
0x67: {  	_ =	shalt  }
0x68: {  	_ =	shalt  }
0x69: {  	_ =	shalt  }
0x6a: {  	_ =	shalt  }
0x6b: {  	_ =	shalt  }
0x6c: {  	_ =	shalt  }
0x6d: {  	_ =	shalt  }
0x6e: {  	_ =	shalt  }
0x6f: {  	_ =	shalt  }
0x70: {  	_ =	shalt  }
0x71: {  	_ =	shalt  }
0x72: {  	_ =	shalt  }
0x73: {  	_ =	shalt  }
0x74: {  	_ =	shalt  }
0x75: {  	_ =	shalt  }
0x76: {  	_ =	shalt  }
0x77: {  	_ =	shalt  }
0x78: {  	_ =	shalt  }
0x79: {  	_ =	shalt  }
0x7a: {  	_ =	shalt  }
0x7b: {  	_ =	shalt  }
0x7c: {  	_ =	shalt  }
0x7d: {  	_ =	shalt  }
0x7e: {  	_ =	shalt  }
0x7f: {  	_ =	shalt  }
0x80: {  	_ =	shalt  }
0x81: {  	_ =	shalt  }
0x82: {  	_ =	shalt  }
0x83: {  	_ =	shalt  }
0x84: {  	_ =	shalt  }
0x85: {  	_ =	shalt  }
0x86: {  	_ =	shalt  }
0x87: {  	_ =	shalt  }
.Lfunc_end0:
.L_simem_size_0:
called_computation.1_lowered:
.L_overlay_start_0:
0x88: {  	s2 =	sld [smem:$0x3FD9]  }
0x89: {  	s3 =	sld [smem:$0x3FFE];
	_ =	sdelay $0x1  }
0x8a: {  	s1 =	srdreg.scid  }
0x8b: {  	s0 =	sand.u32 $0x1, s1  }
0x8c: {  	s17 =	sshll.u32 s0, $0xA;
	s2 =	sadd.s32 s3, s2  }
0x8d: {  	s2 =	sadd.s32 s2, s17  }
0x8e: {  	[smem:$0x3FC4] =	sst s2  }
0x8f: {  	_ = 	snop  }
0x90: {  	s2 =	sld [smem:$0x3FD0];
	(tm) =	ssettm $0x1  }
0x91: {  	s18 =	sld [smem:$0x3FFB];
	_ =	sdelay $0x3  }
0x92: {  	_ =	strace s18  }
0x93: {  	s3 =	sld [smem:$0x3FFC];
	_ =	sdelay $0x3  }
0x94: {  	_ =	strace s3  }
0x95: {  	s3 =	sld [smem:$0x3FFD];
	_ =	sdelay $0x3  }
0x96: {  	_ =	strace s3  }
0x97: {  	_ =	strace $0x8FFFFFFF  }
0x98: {  	s19 =	sld [smem:$0x3FDB];
	_ =	sdelay $0x1  }
0x99: {  	s4 =	simm.s32 $_scs_section_size  }
0x9a: {  	s5 =	simm.s32 $_size__tile_overlayer_lowered;
	s6 =	simm.s32 $_tile_overlayer_lowered  }
0x9b: {  	s22 =	simm.s32 $0x1BFF;
	s21 =	sshll.u32 s6, $0x1;
	s3 =	sadd.s32 s4, s19  }
0x9c: {  	s7 =	simm.s32 $0x0;
	s20 =	sshll.u32 s5, $0x1;
	s5 =	sadd.s32 s21, s3  }
0x9d: {  	[timem:s7], [sflag:s22] =	dma.local [hbm:s5], s20  }
0x9e: {  	_ =	swait.ge [sflag:s22], s20  }
0x9f: {  	s4 =	ssub.s32 $0x0, s20;
	[sflag:s22] =	ssyncset.done $0x0  }
0xa0: {  	[sflag:s22] =	ssyncadd.s32 s4;
	_ =	sdelay $0x1  }
0xa1: {  	s23 =	simm.s32 $0x1B8B  }
0xa2: {  	_ =	swait.ge [sflag:s23], $0x1  }
0xa3: {  	[sflag:s23] =	ssyncset.done $0x0  }
0xa4: {  	s25 =	simm.s32 $0x1B8E;
	s24 =	sld [smem:$0x3FFE];
	[sflag:s23] =	ssyncadd.s32 $0xFFFFFFFF  }
0xa5: {  	s26 =	simm.s32 $execute0_lowered;
	[smem:$0x3FD2] =	sst s25  }
0xa6: {  	s5 =	sshll.u32 s26, $0x1;
	_ =	strace $0x80000049;
	[dreg:$0x1] =	wrdreg $0xFFFFFFFF  }
0xa7: {  	s28 =	simm.s32 $_size_execute0_lowered;
	s3 =	sadd.s32 s3, s5;
	[dreg:$0x0] =	wrdreg $0x0  }
0xa8: {  	s5 =	sshll.u32 s28, $0x1;
	[dreg:$0x2] =	wrdreg s3  }
0xa9: {  	[dreg:$0x3] =	wrdreg s5  }
0xaa: {  	[dreg:$0x4] =	wrdreg $0xC0  }
0xab: {  	_ =	task [dreg:s7], $0x5FFFF  }
0xac: {  	[dreg:$0x1] =	wrdreg $0xFFFFFFFF  }
0xad: {  	[dreg:$0x0] =	wrdreg $0x60  }
0xae: {  	[dreg:$0x2] =	wrdreg s24  }
0xaf: {  	[dreg:$0x3] =	wrdreg s2  }
0xb0: {  	[dreg:$0x4] =	wrdreg $0xA0000  }
0xb1: {  	[dreg:$0x5] =	wrdreg $0x9  }
0xb2: {  	_ =	task.clear_ibuf [dreg:s7], $0x6FFFF;
	_ =	strace $0x90000049  }
0xb3: {  	s29 =	simm.s32 $0x9;
	_ =	strace $0x8000004B  }
0xb4: {  	_ =	swait.ge [sflag:s29], $0x1  }
0xb5: {  	[sflag:s29] =	ssyncadd.s32 $0xFFFFFFFF  }
0xb6: {  	_ =	strace $0x9000004B  }
0xb7: {  	_ =	sfence  }
0xb8: {  	s30 =	sld [smem:$0x0];
	_ =	sdelay $0x2  }
0xb9: {  	s31 =	sshll.u32 s1, $0xD;
	s1 =	sshrl.u32 s1, $0x2  }
0xba: {  	s3 =	sand.u32 $0x4000, s31;
	s1 =	sadd.s32 s1, s30  }
0xbb: {  	s0 =	sor.u32 s3, s0;
	s1 =	sshll.u32 s1, $0x11  }
0xbc: {  	s0 =	sor.u32 s1, s0  }
0xbd: {  	s0 =	sadd.s32 $0x8F2B, s0  }
0xbe: {  	[sflag:s0] =	ssyncadd.remote.s32 $0x1  }
0xbf: {  	_ =	sfence.sel $0xFFFF  }
0xc0: {  	[dreg:$0x0] =	wrdreg $0xFFFFFFFF;
	(pc) =	sbr.abs _section_cstart, $3  }
0xc1: {  	[dreg:$0x1] =	wrdreg $0xFFFFFFFF  }
0xc2: {  	_ =	task.clear_ibuf [dreg:s7], $0x2FFFF;
	_ =	strace $0x9FFFFFFF  }
0xc3: {  	(tm) =	ssettm $0x7FFFFFFF  }
tec
execute0_lowered:
.L_overlay_start_1:
0x0: {  	(tag) =	ssettag $0x1  }
0x1: {  	s0 =	rddreg [dreg:$0x0]  }
0x2: {  	s3 =	rddreg [dreg:$0x1]  }
0x3: {  	s1 =	srdreg.scid;
	s2 =	rddreg [dreg:$0x2]  }
0x4: {  	s4 =	simm.s32 $0x0;
	s28 =	simm.s32 $0x3;
	s29 =	simm.s32 $0x2  }
0x5: {  	s30 =	simm.s32 $0x4;
	s6 =	sand.u32 $0x1, s1;
	s1 =	stileid.u32  }
0x6: {  	s31 =	simm.s32 $0x1F00;
	[smem:$0x7FF] =	sst s4;
	s5 =	smul.u32 $0x140000, s6  }
0x7: {  	s4 =	sadd.s32 $0xB800, s0;
	s9 =	sadd.s32 $0x1800, s0;
	s7 =	smul.u32 $0x14000, s1  }
0x8: {  	_ =	strace $0x8000004A;
	s18 =	ssub.s32 $0x2, s6;
	s8 =	smul.u32 $0x50000, s1  }
0x9: {  	s21 =	sshll.u32 s1, $0x7;
	p0 =	seq.s32 s6, $0x0;
	s22 =	smul.u32 $0x2800, s1  }
0xa: {  	p1 =	sne.s32 s6, $0x0;
	s19 =	sshrl.u32 s18, $0x1;
	s5 =	sadd.s32 s7, s5  }
0xb: {  	s7 =	ssub.s32 s18, s19;
	s20 =	sshrl.u32 s8, $0x2;
	s8 =	sadd.s32 $0x200, s21  }
0xc: {  	s25 =	sadd.s32 s4, s22;
	s21 =	simm.s32 $0x5;
	s22 =	simm.s32 $0x1000  }
0xd: {  	s5 =	sshrl.u32 s5, $0x3;
	s16 =	sshll.u32 s8, $0x4;
	[dreg:$0x8] =	wrdreg s25  }
0xe: {  	s25 =	simm.s32 $0x6000;
	s0 =	sadd.s32 s5, s0;
	s5 =	sadd.s32 s20, s2  }
0xf: {  	s14 =	sor.u32 $0x200, s16;
	s26 =	sor.u32 $0x400, s16;
	s18 =	sor.u32 $0x600, s16  }
0x10: {  	s20 =	smax.u32 s7, $0x1;
	s10 =	sadd.s32 $0x4000, s5;
	s11 =	sadd.s32 $0x8000, s5  }
0x11: {  	s23 =	sadd.s32 $0xC000, s5;
	s24 =	sadd.s32 $0x10000, s5;
	s13 =	sadd.s32 s9, s14  }
0x12: {  	s14 =	sadd.s32 s3, s14;
	s15 =	sadd.s32 s9, s26;
	s16 =	sadd.s32 s3, s26  }
0x13: {  	s17 =	sadd.s32 s9, s18;
	s18 =	sadd.s32 s3, s18;
	[dreg:$0x4] =	wrdreg s10  }
.Ltmp0:
0x14: {  	s19 =	sadd.s32 $0x5B800, s0;
	[dreg:$0x5] =	wrdreg s11;
	(pc) =	sbr.rel .LBB2_1-.Ltmp0, $4  }
0x15: {  	s26 =	simm.s32 $0x1;
	s10 =	sshll.u32 s1, $0x5;
	[dreg:$0x6] =	wrdreg s23  }
0x16: {  	s0 =	simm.s32 $0x1F80;
	[dreg:$0x7] =	wrdreg s24;
	s8 =	smov.u32 @p0 s10  }
0x17: {  	s23 =	simm.s32 $0x80;
	s24 =	simm.s32 $0x2000;
	s8 =	sshll.u32 s8, $0x4  }
0x18: {  	v0 =	vimm.f32 $0.0e+00;
	s11 =	sadd.s32 s9, s8;
	s12 =	sadd.s32 s3, s8;
	s3 =	simm.s32 $0x0  }
.LBB2_15:
0x19: {  	[tilespmem:s25], [sflag:$0x2] =	stream.indirect.gather [hbm4b:s4+s23], $0x80, s9, s23, $0xb8;
	[tilespmem:$0x1E000] =	vst v63  }
0x1a: {  	_ =	swait.ge [sflag:s26], $0x4000  }
0x1b: {  	[sflag:s26] =	ssyncset.done $0x0  }
0x1c: {  	[sflag:s26] =	ssyncadd.s32 $0xFFFFC000  }
0x1d: {  	[spmem:s2] =	stream.indirect.scatter.add.f32 [tilespmem:s24], [sflag:$0x3], $0x80, s31, s23, $0xb8;
	[tilespmem:$0x1E000] =	vst v63  }
0x1e: {  	_ =	swait.ge [sflag:s29], $0x4000  }
0x1f: {  	[sflag:s29] =	ssyncset.done $0x0  }
0x20: {  	[sflag:s29] =	ssyncadd.s32 $0xFFFFC000  }
0x21: {  	[spmem:s2] =	stream.indirect.scatter.add.f32 [tilespmem:s25], [sflag:$0x4], $0x80, s0, s23, $0xb8;
	[tilespmem:$0x1E000] =	vst v63  }
0x22: {  	_ =	swait.ge [sflag:s28], $0x4000  }
0x23: {  	[sflag:s28] =	ssyncset.done $0x0  }
0x24: {  	[sflag:s28] =	ssyncadd.s32 $0xFFFFC000  }
0x25: {  	_ =	swait.ge [sflag:s30], $0x4000  }
0x26: {  	[sflag:s30] =	ssyncset.done $0x0  }
0x27: {  	[sflag:s30] =	ssyncadd.s32 $0xFFFFC000  }
.LBB2_16:
0x28: {  	s3 =	sadd.s32 $0x1, s3  }
0x29: {  	p2 =	sne.s32 s3, s20  }
.Ltmp1:
0x2a: {  	[bflag:$0x0] =	sbarrier.arrive $0xFFFF;
	(pc) =	sbr.rel @!p2 .LBB2_17-.Ltmp1, $4  }
0x2b: {  	[hbm:s19], [sflag:s7] =	dma.local [spmem:s6], $0x2800  }
0x2c: {  	_ =	swait.ge [sflag:s21], $0x2800  }
0x2d: {  	[sflag:s21] =	ssyncset.done $0x0  }
0x2e: {  	[sflag:s21] =	ssyncadd.s32 $0xFFFFD800  }
.LBB2_1:
.Ltmp2:
0x2f: {  	(pc) =	sbr.rel @p1 .LBB2_3-.Ltmp2, $3  }
0x30: {  	_ =	sdelay $0x1  }
0x31: {  	s7 =	sshll.u32 s1, $0x6  }
0x32: {  	s6 =	sshrl.u32 s5, $0x3;
	s7 =	sor.u32 $0x1C05, s7  }
.Ltmp3:
0x33: {  	s8 =	rddreg [dreg:$0x8];
	(pc) =	sbr.rel .LBB2_6-.Ltmp3, $4  }
0x34: {  	[spmem:s6], [sflag:s7] =	dma.local [hbm:s8], $0x2800  }
0x35: {  	_ =	swait.ge [sflag:s21], $0x2800  }
0x36: {  	[sflag:s21] =	ssyncset.done $0x0  }
0x37: {  	[sflag:s21] =	ssyncadd.s32 $0xFFFFD800  }
.LBB2_3:
0x38: {  	s9 =	simm.s32 $0x0  }
0x39: {  	s8 =	sshra.s32 s9, $0x2;
	s9 =	sadd.s32 $0x200, s9  }
.LBB2_4:
0x3a: {  	p2 =	sne.s32 s9, $0xFE00;
	[tilespmem:s8+$0x2070] =	vst v0  }
0x3b: {  	[tilespmem:s8+$0x2000] =	vst v0  }
0x3c: {  	[tilespmem:s8+$0x2010] =	vst v0  }
.Ltmp4:
0x3d: {  	[tilespmem:s8+$0x2020] =	vst v0;
	(pc) =	sbr.rel @p2 .LBB2_4-.Ltmp4, $4  }
0x3e: {  	[tilespmem:s8+$0x2030] =	vst v0  }
0x3f: {  	[tilespmem:s8+$0x2040] =	vst v0  }
0x40: {  	[tilespmem:s8+$0x2050] =	vst v0  }
0x41: {  	[tilespmem:s8+$0x2060] =	vst v0;
	s8 =	sshra.s32 s9, $0x2;
	s9 =	sadd.s32 $0x200, s9  }
0x42: {  	[tilespmem:s8+$0x2070] =	vst v0  }
0x43: {  	[tilespmem:s8+$0x2000] =	vst v0  }
0x44: {  	[tilespmem:s8+$0x2010] =	vst v0  }
0x45: {  	[tilespmem:s8+$0x2020] =	vst v0  }
0x46: {  	[tilespmem:s8+$0x2030] =	vst v0  }
0x47: {  	[tilespmem:s8+$0x2040] =	vst v0  }
0x48: {  	[tilespmem:s8+$0x2050] =	vst v0  }
0x49: {  	[tilespmem:s8+$0x2060] =	vst v0  }
0x4a: {  	[spmem:s5] =	stream.linear.scatter [tilespmem:s24], [sflag:$0x5], $0x4000, $0x38;
	[tilespmem:$0x1E000] =	vst v63  }
0x4b: {  	_ =	swait.ge [sflag:s21], $0x4000  }
0x4c: {  	[sflag:s21] =	ssyncset.done $0x0  }
0x4d: {  	s9 =	rddreg [dreg:$0x4];
	[sflag:s21] =	ssyncadd.s32 $0xFFFFC000  }
0x4e: {  	[spmem:s9] =	stream.linear.scatter [tilespmem:s24], [sflag:$0x5], $0x4000, $0x38;
	[tilespmem:$0x1E000] =	vst v63  }
0x4f: {  	_ =	swait.ge [sflag:s21], $0x4000  }
0x50: {  	[sflag:s21] =	ssyncset.done $0x0  }
0x51: {  	s10 =	rddreg [dreg:$0x5];
	[sflag:s21] =	ssyncadd.s32 $0xFFFFC000  }
0x52: {  	[spmem:s10] =	stream.linear.scatter [tilespmem:s24], [sflag:$0x5], $0x4000, $0x38;
	[tilespmem:$0x1E000] =	vst v63  }
0x53: {  	_ =	swait.ge [sflag:s21], $0x4000  }
0x54: {  	[sflag:s21] =	ssyncset.done $0x0  }
0x55: {  	s9 =	rddreg [dreg:$0x6];
	[sflag:s21] =	ssyncadd.s32 $0xFFFFC000  }
0x56: {  	[spmem:s9] =	stream.linear.scatter [tilespmem:s24], [sflag:$0x5], $0x4000, $0x38;
	[tilespmem:$0x1E000] =	vst v63  }
0x57: {  	_ =	swait.ge [sflag:s21], $0x4000  }
0x58: {  	[sflag:s21] =	ssyncset.done $0x0  }
0x59: {  	s10 =	rddreg [dreg:$0x7];
	[sflag:s21] =	ssyncadd.s32 $0xFFFFC000  }
0x5a: {  	[spmem:s10] =	stream.linear.scatter [tilespmem:s24], [sflag:$0x5], $0x4000, $0x38;
	[tilespmem:$0x1E000] =	vst v63  }
0x5b: {  	_ =	swait.ge [sflag:s21], $0x4000  }
0x5c: {  	[sflag:s21] =	ssyncset.done $0x0  }
0x5d: {  	[sflag:s21] =	ssyncadd.s32 $0xFFFFC000  }
.LBB2_6:
0x5e: {  	[bflag:$0x0] =	sbarrier.arrive $0xFFFF;
	s8 =	simm.s32 $0x0  }
0x5f: {  	[tilespmem:s8], [sflag:$0x5] =	stream.linear.gather [hbm4b:s11+s8], $0x1000, $0x38;
	[tilespmem:$0x1E000] =	vst v63  }
0x60: {  	_ =	swait.ge [sflag:s21], $0x1000  }
0x61: {  	[sflag:s21] =	ssyncset.done $0x0  }
0x62: {  	[sflag:s21] =	ssyncadd.s32 $0xFFFFF000  }
0x63: {  	[tilespmem:s22], [sflag:$0x5] =	stream.linear.gather [hbm4b:s12+s8], $0x1000, $0x38;
	[tilespmem:$0x1E000] =	vst v63  }
0x64: {  	_ =	swait.ge [sflag:s21], $0x1000  }
0x65: {  	[sflag:s21] =	ssyncset.done $0x0  }
0x66: {  	[sflag:s21] =	ssyncadd.s32 $0xFFFFF000  }
0x67: {  	[tilespmem:s24], [sflag:$0x1] =	stream.indirect.gather [hbm4b:s4+s23], $0x80, s8, s23, $0xb8;
	[tilespmem:$0x1E000] =	vst v63  }
0x68: {  	_ = 	snop  }
0x69: {  	[tilespmem:s25], [sflag:$0x2] =	stream.indirect.gather [hbm4b:s4+s23], $0x80, s23, s23, $0xb8;
	[tilespmem:$0x1E000] =	vst v63  }
0x6a: {  	_ =	swait.ge [sflag:s26], $0x4000  }
0x6b: {  	[sflag:s26] =	ssyncset.done $0x0  }
0x6c: {  	s10 =	simm.s32 $0x1000;
	[sflag:s26] =	ssyncadd.s32 $0xFFFFC000  }
0x6d: {  	[spmem:s2] =	stream.indirect.scatter.add.f32 [tilespmem:s24], [sflag:$0x3], $0x80, s10, s23, $0xb8;
	[tilespmem:$0x1E000] =	vst v63  }
0x6e: {  	_ =	swait.ge [sflag:s28], $0x4000  }
0x6f: {  	[sflag:s28] =	ssyncset.done $0x0  }
0x70: {  	s9 =	simm.s32 $0x100;
	[sflag:s28] =	ssyncadd.s32 $0xFFFFC000  }
0x71: {  	[tilespmem:s24], [sflag:$0x1] =	stream.indirect.gather [hbm4b:s4+s23], $0x80, s9, s23, $0xb8;
	[tilespmem:$0x1E000] =	vst v63  }
0x72: {  	_ =	swait.ge [sflag:s29], $0x4000  }
0x73: {  	[sflag:s29] =	ssyncset.done $0x0  }
0x74: {  	s10 =	simm.s32 $0x1080;
	[sflag:s29] =	ssyncadd.s32 $0xFFFFC000  }
0x75: {  	[spmem:s2] =	stream.indirect.scatter.add.f32 [tilespmem:s25], [sflag:$0x4], $0x80, s10, s23, $0xb8;
	[tilespmem:$0x1E000] =	vst v63  }
0x76: {  	_ =	swait.ge [sflag:s30], $0x4000  }
0x77: {  	[sflag:s30] =	ssyncset.done $0x0  }
0x78: {  	s8 =	simm.s32 $0x400;
	s9 =	simm.s32 $0x180;
	[sflag:s30] =	ssyncadd.s32 $0xFFFFC000  }
.LBB2_7:
0x79: {  	[tilespmem:s25], [sflag:$0x2] =	stream.indirect.gather [hbm4b:s4+s23], $0x80, s9, s23, $0xb8;
	[tilespmem:$0x1E000] =	vst v63  }
0x7a: {  	s9 =	smov.u32 s8  }
0x7b: {  	p2 =	sne.s32 s8, $0x3800;
	s8 =	sadd.s32 $0x400, s8;
	_ =	swait.ge [sflag:s26], $0x4000  }
0x7c: {  	s9 =	sshra.s32 s9, $0x2;
	[sflag:s26] =	ssyncset.done $0x0  }
0x7d: {  	s10 =	sadd.s32 $0x1000, s9;
	[sflag:s26] =	ssyncadd.s32 $0xFFFFC000  }
0x7e: {  	[spmem:s2] =	stream.indirect.scatter.add.f32 [tilespmem:s24], [sflag:$0x3], $0x80, s10, s23, $0xb8;
	[tilespmem:$0x1E000] =	vst v63  }
0x7f: {  	_ =	swait.ge [sflag:s28], $0x4000  }
0x80: {  	[sflag:s28] =	ssyncset.done $0x0  }
0x81: {  	s10 =	sadd.s32 $0x100, s9;
	[sflag:s28] =	ssyncadd.s32 $0xFFFFC000  }
0x82: {  	[tilespmem:s24], [sflag:$0x1] =	stream.indirect.gather [hbm4b:s4+s23], $0x80, s10, s23, $0xb8;
	[tilespmem:$0x1E000] =	vst v63  }
0x83: {  	_ =	swait.ge [sflag:s29], $0x4000  }
0x84: {  	[sflag:s29] =	ssyncset.done $0x0  }
.Ltmp5:
0x85: {  	s10 =	sadd.s32 $0x1080, s9;
	[sflag:s29] =	ssyncadd.s32 $0xFFFFC000;
	(pc) =	sbr.rel @p2 .LBB2_7-.Ltmp5, $4  }
0x86: {  	[spmem:s2] =	stream.indirect.scatter.add.f32 [tilespmem:s25], [sflag:$0x4], $0x80, s10, s23, $0xb8;
	[tilespmem:$0x1E000] =	vst v63  }
0x87: {  	_ =	swait.ge [sflag:s30], $0x4000  }
0x88: {  	[sflag:s30] =	ssyncset.done $0x0  }
0x89: {  	s9 =	sadd.s32 $0x180, s9;
	[sflag:s30] =	ssyncadd.s32 $0xFFFFC000  }
0x8a: {  	[tilespmem:s25], [sflag:$0x2] =	stream.indirect.gather [hbm4b:s4+s23], $0x80, s9, s23, $0xb8;
	[tilespmem:$0x1E000] =	vst v63  }
0x8b: {  	_ =	swait.ge [sflag:s26], $0x4000  }
0x8c: {  	[sflag:s26] =	ssyncset.done $0x0  }
0x8d: {  	[sflag:s26] =	ssyncadd.s32 $0xFFFFC000  }
0x8e: {  	[spmem:s2] =	stream.indirect.scatter.add.f32 [tilespmem:s24], [sflag:$0x3], $0x80, s31, s23, $0xb8;
	[tilespmem:$0x1E000] =	vst v63  }
0x8f: {  	_ =	swait.ge [sflag:s29], $0x4000  }
0x90: {  	[sflag:s29] =	ssyncset.done $0x0  }
0x91: {  	[sflag:s29] =	ssyncadd.s32 $0xFFFFC000  }
0x92: {  	[spmem:s2] =	stream.indirect.scatter.add.f32 [tilespmem:s25], [sflag:$0x4], $0x80, s0, s23, $0xb8;
	[tilespmem:$0x1E000] =	vst v63  }
0x93: {  	_ =	swait.ge [sflag:s28], $0x4000  }
.Ltmp6:
0x94: {  	[sflag:s28] =	ssyncset.done $0x0;
	(pc) =	sbr.rel @p0 .LBB2_16-.Ltmp6, $4  }
0x95: {  	[sflag:s28] =	ssyncadd.s32 $0xFFFFC000  }
0x96: {  	_ =	swait.ge [sflag:s30], $0x4000  }
0x97: {  	[sflag:s30] =	ssyncset.done $0x0  }
0x98: {  	[sflag:s30] =	ssyncadd.s32 $0xFFFFC000  }
0x99: {  	s8 =	simm.s32 $0x0  }
0x9a: {  	[tilespmem:s8], [sflag:$0x5] =	stream.linear.gather [hbm4b:s13+s8], $0x1000, $0x38;
	[tilespmem:$0x1E000] =	vst v63  }
0x9b: {  	_ =	swait.ge [sflag:s21], $0x1000  }
0x9c: {  	[sflag:s21] =	ssyncset.done $0x0  }
0x9d: {  	[sflag:s21] =	ssyncadd.s32 $0xFFFFF000  }
0x9e: {  	[tilespmem:s22], [sflag:$0x5] =	stream.linear.gather [hbm4b:s14+s8], $0x1000, $0x38;
	[tilespmem:$0x1E000] =	vst v63  }
0x9f: {  	_ =	swait.ge [sflag:s21], $0x1000  }
0xa0: {  	[sflag:s21] =	ssyncset.done $0x0  }
0xa1: {  	[sflag:s21] =	ssyncadd.s32 $0xFFFFF000  }
0xa2: {  	[tilespmem:s24], [sflag:$0x1] =	stream.indirect.gather [hbm4b:s4+s23], $0x80, s8, s23, $0xb8;
	[tilespmem:$0x1E000] =	vst v63  }
0xa3: {  	_ = 	snop  }
0xa4: {  	[tilespmem:s25], [sflag:$0x2] =	stream.indirect.gather [hbm4b:s4+s23], $0x80, s23, s23, $0xb8;
	[tilespmem:$0x1E000] =	vst v63  }
0xa5: {  	_ =	swait.ge [sflag:s26], $0x4000  }
0xa6: {  	[sflag:s26] =	ssyncset.done $0x0  }
0xa7: {  	s10 =	simm.s32 $0x1000;
	[sflag:s26] =	ssyncadd.s32 $0xFFFFC000  }
0xa8: {  	[spmem:s2] =	stream.indirect.scatter.add.f32 [tilespmem:s24], [sflag:$0x3], $0x80, s10, s23, $0xb8;
	[tilespmem:$0x1E000] =	vst v63  }
0xa9: {  	_ =	swait.ge [sflag:s28], $0x4000  }
0xaa: {  	[sflag:s28] =	ssyncset.done $0x0  }
0xab: {  	s9 =	simm.s32 $0x100;
	[sflag:s28] =	ssyncadd.s32 $0xFFFFC000  }
0xac: {  	[tilespmem:s24], [sflag:$0x1] =	stream.indirect.gather [hbm4b:s4+s23], $0x80, s9, s23, $0xb8;
	[tilespmem:$0x1E000] =	vst v63  }
0xad: {  	_ =	swait.ge [sflag:s29], $0x4000  }
0xae: {  	[sflag:s29] =	ssyncset.done $0x0  }
0xaf: {  	s10 =	simm.s32 $0x1080;
	[sflag:s29] =	ssyncadd.s32 $0xFFFFC000  }
0xb0: {  	[spmem:s2] =	stream.indirect.scatter.add.f32 [tilespmem:s25], [sflag:$0x4], $0x80, s10, s23, $0xb8;
	[tilespmem:$0x1E000] =	vst v63  }
0xb1: {  	_ =	swait.ge [sflag:s30], $0x4000  }
0xb2: {  	[sflag:s30] =	ssyncset.done $0x0  }
0xb3: {  	s8 =	simm.s32 $0x400;
	s9 =	simm.s32 $0x180;
	[sflag:s30] =	ssyncadd.s32 $0xFFFFC000  }
.LBB2_10:
0xb4: {  	[tilespmem:s25], [sflag:$0x2] =	stream.indirect.gather [hbm4b:s4+s23], $0x80, s9, s23, $0xb8;
	[tilespmem:$0x1E000] =	vst v63  }
0xb5: {  	s9 =	smov.u32 s8  }
0xb6: {  	p2 =	sne.s32 s8, $0x3800;
	s8 =	sadd.s32 $0x400, s8;
	_ =	swait.ge [sflag:s26], $0x4000  }
0xb7: {  	s9 =	sshra.s32 s9, $0x2;
	[sflag:s26] =	ssyncset.done $0x0  }
0xb8: {  	s10 =	sadd.s32 $0x1000, s9;
	[sflag:s26] =	ssyncadd.s32 $0xFFFFC000  }
0xb9: {  	[spmem:s2] =	stream.indirect.scatter.add.f32 [tilespmem:s24], [sflag:$0x3], $0x80, s10, s23, $0xb8;
	[tilespmem:$0x1E000] =	vst v63  }
0xba: {  	_ =	swait.ge [sflag:s28], $0x4000  }
0xbb: {  	[sflag:s28] =	ssyncset.done $0x0  }
0xbc: {  	s10 =	sadd.s32 $0x100, s9;
	[sflag:s28] =	ssyncadd.s32 $0xFFFFC000  }
0xbd: {  	[tilespmem:s24], [sflag:$0x1] =	stream.indirect.gather [hbm4b:s4+s23], $0x80, s10, s23, $0xb8;
	[tilespmem:$0x1E000] =	vst v63  }
0xbe: {  	_ =	swait.ge [sflag:s29], $0x4000  }
0xbf: {  	[sflag:s29] =	ssyncset.done $0x0  }
.Ltmp7:
0xc0: {  	s10 =	sadd.s32 $0x1080, s9;
	[sflag:s29] =	ssyncadd.s32 $0xFFFFC000;
	(pc) =	sbr.rel @p2 .LBB2_10-.Ltmp7, $4  }
0xc1: {  	[spmem:s2] =	stream.indirect.scatter.add.f32 [tilespmem:s25], [sflag:$0x4], $0x80, s10, s23, $0xb8;
	[tilespmem:$0x1E000] =	vst v63  }
0xc2: {  	_ =	swait.ge [sflag:s30], $0x4000  }
0xc3: {  	[sflag:s30] =	ssyncset.done $0x0  }
0xc4: {  	s9 =	sadd.s32 $0x180, s9;
	[sflag:s30] =	ssyncadd.s32 $0xFFFFC000  }
0xc5: {  	[tilespmem:s25], [sflag:$0x2] =	stream.indirect.gather [hbm4b:s4+s23], $0x80, s9, s23, $0xb8;
	[tilespmem:$0x1E000] =	vst v63  }
0xc6: {  	_ =	swait.ge [sflag:s26], $0x4000  }
0xc7: {  	[sflag:s26] =	ssyncset.done $0x0  }
0xc8: {  	[sflag:s26] =	ssyncadd.s32 $0xFFFFC000  }
0xc9: {  	[spmem:s2] =	stream.indirect.scatter.add.f32 [tilespmem:s24], [sflag:$0x3], $0x80, s31, s23, $0xb8;
	[tilespmem:$0x1E000] =	vst v63  }
0xca: {  	_ =	swait.ge [sflag:s29], $0x4000  }
0xcb: {  	[sflag:s29] =	ssyncset.done $0x0  }
0xcc: {  	[sflag:s29] =	ssyncadd.s32 $0xFFFFC000  }
0xcd: {  	[spmem:s2] =	stream.indirect.scatter.add.f32 [tilespmem:s25], [sflag:$0x4], $0x80, s0, s23, $0xb8;
	[tilespmem:$0x1E000] =	vst v63  }
0xce: {  	_ =	swait.ge [sflag:s28], $0x4000  }
0xcf: {  	[sflag:s28] =	ssyncset.done $0x0  }
0xd0: {  	[sflag:s28] =	ssyncadd.s32 $0xFFFFC000  }
0xd1: {  	_ =	swait.ge [sflag:s30], $0x4000  }
0xd2: {  	[sflag:s30] =	ssyncset.done $0x0  }
0xd3: {  	s8 =	simm.s32 $0x0;
	[sflag:s30] =	ssyncadd.s32 $0xFFFFC000  }
0xd4: {  	[tilespmem:s8], [sflag:$0x5] =	stream.linear.gather [hbm4b:s15+s8], $0x1000, $0x38;
	[tilespmem:$0x1E000] =	vst v63  }
0xd5: {  	_ =	swait.ge [sflag:s21], $0x1000  }
0xd6: {  	[sflag:s21] =	ssyncset.done $0x0  }
0xd7: {  	[sflag:s21] =	ssyncadd.s32 $0xFFFFF000  }
0xd8: {  	[tilespmem:s22], [sflag:$0x5] =	stream.linear.gather [hbm4b:s16+s8], $0x1000, $0x38;
	[tilespmem:$0x1E000] =	vst v63  }
0xd9: {  	_ =	swait.ge [sflag:s21], $0x1000  }
0xda: {  	[sflag:s21] =	ssyncset.done $0x0  }
0xdb: {  	[sflag:s21] =	ssyncadd.s32 $0xFFFFF000  }
0xdc: {  	[tilespmem:s24], [sflag:$0x1] =	stream.indirect.gather [hbm4b:s4+s23], $0x80, s8, s23, $0xb8;
	[tilespmem:$0x1E000] =	vst v63  }
0xdd: {  	_ = 	snop  }
0xde: {  	[tilespmem:s25], [sflag:$0x2] =	stream.indirect.gather [hbm4b:s4+s23], $0x80, s23, s23, $0xb8;
	[tilespmem:$0x1E000] =	vst v63  }
0xdf: {  	_ =	swait.ge [sflag:s26], $0x4000  }
0xe0: {  	[sflag:s26] =	ssyncset.done $0x0  }
0xe1: {  	s10 =	simm.s32 $0x1000;
	[sflag:s26] =	ssyncadd.s32 $0xFFFFC000  }
0xe2: {  	[spmem:s2] =	stream.indirect.scatter.add.f32 [tilespmem:s24], [sflag:$0x3], $0x80, s10, s23, $0xb8;
	[tilespmem:$0x1E000] =	vst v63  }
0xe3: {  	_ =	swait.ge [sflag:s28], $0x4000  }
0xe4: {  	[sflag:s28] =	ssyncset.done $0x0  }
0xe5: {  	s9 =	simm.s32 $0x100;
	[sflag:s28] =	ssyncadd.s32 $0xFFFFC000  }
0xe6: {  	[tilespmem:s24], [sflag:$0x1] =	stream.indirect.gather [hbm4b:s4+s23], $0x80, s9, s23, $0xb8;
	[tilespmem:$0x1E000] =	vst v63  }
0xe7: {  	_ =	swait.ge [sflag:s29], $0x4000  }
0xe8: {  	[sflag:s29] =	ssyncset.done $0x0  }
0xe9: {  	s10 =	simm.s32 $0x1080;
	[sflag:s29] =	ssyncadd.s32 $0xFFFFC000  }
0xea: {  	[spmem:s2] =	stream.indirect.scatter.add.f32 [tilespmem:s25], [sflag:$0x4], $0x80, s10, s23, $0xb8;
	[tilespmem:$0x1E000] =	vst v63  }
0xeb: {  	_ =	swait.ge [sflag:s30], $0x4000  }
0xec: {  	[sflag:s30] =	ssyncset.done $0x0  }
0xed: {  	s8 =	simm.s32 $0x400;
	s9 =	simm.s32 $0x180;
	[sflag:s30] =	ssyncadd.s32 $0xFFFFC000  }
.LBB2_12:
0xee: {  	[tilespmem:s25], [sflag:$0x2] =	stream.indirect.gather [hbm4b:s4+s23], $0x80, s9, s23, $0xb8;
	[tilespmem:$0x1E000] =	vst v63  }
0xef: {  	s9 =	smov.u32 s8  }
0xf0: {  	p2 =	sne.s32 s8, $0x3800;
	s8 =	sadd.s32 $0x400, s8;
	_ =	swait.ge [sflag:s26], $0x4000  }
0xf1: {  	s9 =	sshra.s32 s9, $0x2;
	[sflag:s26] =	ssyncset.done $0x0  }
0xf2: {  	s10 =	sadd.s32 $0x1000, s9;
	[sflag:s26] =	ssyncadd.s32 $0xFFFFC000  }
0xf3: {  	[spmem:s2] =	stream.indirect.scatter.add.f32 [tilespmem:s24], [sflag:$0x3], $0x80, s10, s23, $0xb8;
	[tilespmem:$0x1E000] =	vst v63  }
0xf4: {  	_ =	swait.ge [sflag:s28], $0x4000  }
0xf5: {  	[sflag:s28] =	ssyncset.done $0x0  }
0xf6: {  	s10 =	sadd.s32 $0x100, s9;
	[sflag:s28] =	ssyncadd.s32 $0xFFFFC000  }
0xf7: {  	[tilespmem:s24], [sflag:$0x1] =	stream.indirect.gather [hbm4b:s4+s23], $0x80, s10, s23, $0xb8;
	[tilespmem:$0x1E000] =	vst v63  }
0xf8: {  	_ =	swait.ge [sflag:s29], $0x4000  }
0xf9: {  	[sflag:s29] =	ssyncset.done $0x0  }
.Ltmp8:
0xfa: {  	s10 =	sadd.s32 $0x1080, s9;
	[sflag:s29] =	ssyncadd.s32 $0xFFFFC000;
	(pc) =	sbr.rel @p2 .LBB2_12-.Ltmp8, $4  }
0xfb: {  	[spmem:s2] =	stream.indirect.scatter.add.f32 [tilespmem:s25], [sflag:$0x4], $0x80, s10, s23, $0xb8;
	[tilespmem:$0x1E000] =	vst v63  }
0xfc: {  	_ =	swait.ge [sflag:s30], $0x4000  }
0xfd: {  	[sflag:s30] =	ssyncset.done $0x0  }
0xfe: {  	s9 =	sadd.s32 $0x180, s9;
	[sflag:s30] =	ssyncadd.s32 $0xFFFFC000  }
0xff: {  	[tilespmem:s25], [sflag:$0x2] =	stream.indirect.gather [hbm4b:s4+s23], $0x80, s9, s23, $0xb8;
	[tilespmem:$0x1E000] =	vst v63  }
0x100: {  	_ =	swait.ge [sflag:s26], $0x4000  }
0x101: {  	[sflag:s26] =	ssyncset.done $0x0  }
0x102: {  	[sflag:s26] =	ssyncadd.s32 $0xFFFFC000  }
0x103: {  	[spmem:s2] =	stream.indirect.scatter.add.f32 [tilespmem:s24], [sflag:$0x3], $0x80, s31, s23, $0xb8;
	[tilespmem:$0x1E000] =	vst v63  }
0x104: {  	_ =	swait.ge [sflag:s29], $0x4000  }
0x105: {  	[sflag:s29] =	ssyncset.done $0x0  }
0x106: {  	[sflag:s29] =	ssyncadd.s32 $0xFFFFC000  }
0x107: {  	[spmem:s2] =	stream.indirect.scatter.add.f32 [tilespmem:s25], [sflag:$0x4], $0x80, s0, s23, $0xb8;
	[tilespmem:$0x1E000] =	vst v63  }
0x108: {  	_ =	swait.ge [sflag:s28], $0x4000  }
0x109: {  	[sflag:s28] =	ssyncset.done $0x0  }
0x10a: {  	[sflag:s28] =	ssyncadd.s32 $0xFFFFC000  }
0x10b: {  	_ =	swait.ge [sflag:s30], $0x4000  }
0x10c: {  	[sflag:s30] =	ssyncset.done $0x0  }
0x10d: {  	s8 =	simm.s32 $0x0;
	[sflag:s30] =	ssyncadd.s32 $0xFFFFC000  }
0x10e: {  	[tilespmem:s8], [sflag:$0x5] =	stream.linear.gather [hbm4b:s17+s8], $0x1000, $0x38;
	[tilespmem:$0x1E000] =	vst v63  }
0x10f: {  	_ =	swait.ge [sflag:s21], $0x1000  }
0x110: {  	[sflag:s21] =	ssyncset.done $0x0  }
0x111: {  	[sflag:s21] =	ssyncadd.s32 $0xFFFFF000  }
0x112: {  	[tilespmem:s22], [sflag:$0x5] =	stream.linear.gather [hbm4b:s18+s8], $0x1000, $0x38;
	[tilespmem:$0x1E000] =	vst v63  }
0x113: {  	_ =	swait.ge [sflag:s21], $0x1000  }
0x114: {  	[sflag:s21] =	ssyncset.done $0x0  }
0x115: {  	[sflag:s21] =	ssyncadd.s32 $0xFFFFF000  }
0x116: {  	[tilespmem:s24], [sflag:$0x1] =	stream.indirect.gather [hbm4b:s4+s23], $0x80, s8, s23, $0xb8;
	[tilespmem:$0x1E000] =	vst v63  }
0x117: {  	_ = 	snop  }
0x118: {  	[tilespmem:s25], [sflag:$0x2] =	stream.indirect.gather [hbm4b:s4+s23], $0x80, s23, s23, $0xb8;
	[tilespmem:$0x1E000] =	vst v63  }
0x119: {  	_ =	swait.ge [sflag:s26], $0x4000  }
0x11a: {  	[sflag:s26] =	ssyncset.done $0x0  }
0x11b: {  	s10 =	simm.s32 $0x1000;
	[sflag:s26] =	ssyncadd.s32 $0xFFFFC000  }
0x11c: {  	[spmem:s2] =	stream.indirect.scatter.add.f32 [tilespmem:s24], [sflag:$0x3], $0x80, s10, s23, $0xb8;
	[tilespmem:$0x1E000] =	vst v63  }
0x11d: {  	_ =	swait.ge [sflag:s28], $0x4000  }
0x11e: {  	[sflag:s28] =	ssyncset.done $0x0  }
0x11f: {  	s9 =	simm.s32 $0x100;
	[sflag:s28] =	ssyncadd.s32 $0xFFFFC000  }
0x120: {  	[tilespmem:s24], [sflag:$0x1] =	stream.indirect.gather [hbm4b:s4+s23], $0x80, s9, s23, $0xb8;
	[tilespmem:$0x1E000] =	vst v63  }
0x121: {  	_ =	swait.ge [sflag:s29], $0x4000  }
0x122: {  	[sflag:s29] =	ssyncset.done $0x0  }
0x123: {  	s10 =	simm.s32 $0x1080;
	[sflag:s29] =	ssyncadd.s32 $0xFFFFC000  }
0x124: {  	[spmem:s2] =	stream.indirect.scatter.add.f32 [tilespmem:s25], [sflag:$0x4], $0x80, s10, s23, $0xb8;
	[tilespmem:$0x1E000] =	vst v63  }
0x125: {  	_ =	swait.ge [sflag:s30], $0x4000  }
0x126: {  	[sflag:s30] =	ssyncset.done $0x0  }
0x127: {  	s8 =	simm.s32 $0x400;
	s9 =	simm.s32 $0x180;
	[sflag:s30] =	ssyncadd.s32 $0xFFFFC000  }
.LBB2_14:
0x128: {  	[tilespmem:s25], [sflag:$0x2] =	stream.indirect.gather [hbm4b:s4+s23], $0x80, s9, s23, $0xb8;
	[tilespmem:$0x1E000] =	vst v63  }
0x129: {  	s9 =	smov.u32 s8  }
0x12a: {  	p2 =	sne.s32 s8, $0x3800;
	s8 =	sadd.s32 $0x400, s8;
	_ =	swait.ge [sflag:s26], $0x4000  }
0x12b: {  	s9 =	sshra.s32 s9, $0x2;
	[sflag:s26] =	ssyncset.done $0x0  }
0x12c: {  	s10 =	sadd.s32 $0x1000, s9;
	[sflag:s26] =	ssyncadd.s32 $0xFFFFC000  }
0x12d: {  	[spmem:s2] =	stream.indirect.scatter.add.f32 [tilespmem:s24], [sflag:$0x3], $0x80, s10, s23, $0xb8;
	[tilespmem:$0x1E000] =	vst v63  }
0x12e: {  	_ =	swait.ge [sflag:s28], $0x4000  }
0x12f: {  	[sflag:s28] =	ssyncset.done $0x0  }
0x130: {  	s10 =	sadd.s32 $0x100, s9;
	[sflag:s28] =	ssyncadd.s32 $0xFFFFC000  }
0x131: {  	[tilespmem:s24], [sflag:$0x1] =	stream.indirect.gather [hbm4b:s4+s23], $0x80, s10, s23, $0xb8;
	[tilespmem:$0x1E000] =	vst v63  }
0x132: {  	_ =	swait.ge [sflag:s29], $0x4000  }
0x133: {  	[sflag:s29] =	ssyncset.done $0x0  }
.Ltmp9:
0x134: {  	s10 =	sadd.s32 $0x1080, s9;
	[sflag:s29] =	ssyncadd.s32 $0xFFFFC000;
	(pc) =	sbr.rel @p2 .LBB2_14-.Ltmp9, $4  }
0x135: {  	[spmem:s2] =	stream.indirect.scatter.add.f32 [tilespmem:s25], [sflag:$0x4], $0x80, s10, s23, $0xb8;
	[tilespmem:$0x1E000] =	vst v63  }
0x136: {  	_ =	swait.ge [sflag:s30], $0x4000  }
0x137: {  	[sflag:s30] =	ssyncset.done $0x0  }
0x138: {  	s9 =	sadd.s32 $0x180, s9;
	[sflag:s30] =	ssyncadd.s32 $0xFFFFC000  }
.Ltmp10:
0x139: {  	_ = 	snop;
	(pc) =	sbr.rel .LBB2_15-.Ltmp10, $1  }
0x13a: {  	_ =	sdelay $0x3  }
.LBB2_17:
0x13b: {  	_ =	sfence.sel $0x180000  }
0x13c: {  	[bflag:$0x0] =	sbarrier.arrive $0xFFFF  }
0x13d: {  	_ =	strace $0x9000004A  }
0x13e: {  	[bflag:$0x2] =	sbarrier.arrive $0xFFFF  }
0x13f: {  	p0 =	sne.s32 s1, $0x0;
	s0 =	rddreg [dreg:$0x3]  }
0x140: {  	s0 =	sadd.s32 @!p0 $0x100000, s0  }
0x141: {  	[sflag:s0] =	ssyncadd.tile.s32 @!p0 $0x1;
	_ =	shalt  }
.Lfunc_end2:
_tile_overlayer_lowered:
.L_overlay_start_2:
0x142: {  	(tag) =	ssettag $0x2  }
0x143: {  	s0 =	rddreg [dreg:$0x0];
	s2 =	stileid.u32  }
0x144: {  	s1 =	rddreg [dreg:$0x1];
	p0 =	sne.s32 s2, $0x0  }
0x145: {  	s3 =	rddreg [dreg:$0x2];
	[bflag:$0x3] =	sbarrier.arrive $0xFFFF;
	s2 =	simm.s32 @!p0 $0x1C05  }
0x146: {  	[timem:s3], [sflag:s2] =	dma.local @!p0 [hbm:s0], s1  }
0x147: {  	s0 =	simm.s32 @!p0 $0x5  }
0x148: {  	_ =	swait.ge @!p0 [sflag:s0], s1  }
0x149: {  	s1 =	ssub.s32 @!p0 $0x0, s1;
	[sflag:s0] =	ssyncset.done @!p0 $0x0  }
0x14a: {  	[sflag:s0] =	ssyncadd.s32 @!p0 s1  }
0x14b: {  	[bflag:$0x3] =	sbarrier.arrive $0xFFFF  }
0x14c: {  	_ =	shalt  }

</sc_bundles>
